<compile_context>
chip_gen: v7x
topology: tpu7x:2x2x1
jax: 0.10.2.dev20260603
libtpu: 0.0.44.dev20260713+nightly
codegen_flags: <defaults>
</compile_context>

<pallas_src>
import functools

import jax
import jax.numpy as jnp
from jax import lax
from jax.experimental import pallas as pl
from jax.experimental.pallas import tpu as pltpu
from jax.experimental.pallas import tpu_sc as plsc

_N_DATA = 1_000_000
_RHO = 0.99
_ALPHA = 0.5
_EPS = 1e-6
_B = 4096
_D = 128
_NC = 2
_NS = 16
_NW = _NC * _NS
_SLICE = 31248
_TAIL = _N_DATA - _NW * _SLICE
_RMAX = _SLICE + _TAIL
_NVEC = _B // 16
_PAD = _B + 16


def _dense_body(feats_ref, c_ref, r_ref, att_ref):
    fa = feats_ref[0:_B, :]
    fb = feats_ref[_B:2 * _B, :]
    fa_roll = jnp.concatenate([fa[1:], fa[:1]], axis=0)
    fb_roll = jnp.concatenate([fb[1:], fb[:1]], axis=0)
    ones = jnp.ones((_D, 1), jnp.float32)

    def rowsums(x):
        nums = (((0,), (1,)), ((), ()))
        s2 = lax.dot_general(ones, x * x, nums,
                             preferred_element_type=jnp.float32)
        s1 = lax.dot_general(ones, x, nums,
                             preferred_element_type=jnp.float32)
        return s2, s1

    u2, u1 = rowsums(fa - fb)
    v2, v1 = rowsums(fa - fb_roll)
    w2, w1 = rowsums(fb - fa_roll)
    e2 = _D * _EPS * _EPS
    da2 = u2 + 2.0 * _EPS * u1 + e2
    db2 = u2 - 2.0 * _EPS * u1 + e2
    dra2 = v2 + 2.0 * _EPS * v1 + e2
    drb2 = w2 + 2.0 * _EPS * w1 + e2
    qa = 1.0 / (1.0 + da2)
    qb = 1.0 / (1.0 + db2)
    qra = 1.0 / (1.0 + dra2)
    qrb = 1.0 / (1.0 + drb2)
    att = (jnp.sum(-jnp.log(qa)) + jnp.sum(-jnp.log(qb))) / (2.0 * _B)
    att_ref[...] = jnp.broadcast_to(att, (1, 1))
    npow2 = jnp.float32(_N_DATA) ** 2
    ema = (1.0 - _RHO) * npow2
    xi_a = _ALPHA * qa + (1.0 - _ALPHA) * qra
    xi_b = _ALPHA * qb + (1.0 - _ALPHA) * qrb
    c_ref[...] = ((ema * xi_a + ema * xi_b) * 0.5).reshape(_B)
    r_ref[...] = (qra + qrb).reshape(_B)


_dense_call = pl.pallas_call(
    _dense_body,
    out_shape=(
        jax.ShapeDtypeStruct((_B,), jnp.float32),
        jax.ShapeDtypeStruct((_B,), jnp.float32),
        jax.ShapeDtypeStruct((1, 1), jnp.float32),
    ),
)


_sc_mesh = plsc.VectorSubcoreMesh(
    core_axis_name="c", subcore_axis_name="s", num_cores=_NC, num_subcores=_NS
)


@functools.partial(
    pl.kernel,
    out_type=(
        jax.ShapeDtypeStruct((_N_DATA,), jnp.float32),
        jax.ShapeDtypeStruct((_NW * 16,), jnp.float32),
    ),
    mesh=_sc_mesh,
    compiler_params=pltpu.CompilerParams(needs_layout_passes=False),
    scratch_types=[
        pltpu.VMEM((_RMAX,), jnp.float32),
        pltpu.VMEM((_RMAX,), jnp.int32),
        pltpu.VMEM((_B,), jnp.int32),
        pltpu.VMEM((_PAD,), jnp.int32),
        pltpu.VMEM((_PAD,), jnp.int32),
        pltpu.VMEM((_PAD,), jnp.float32),
        pltpu.VMEM((_PAD,), jnp.float32),
        pltpu.VMEM((_PAD,), jnp.float32),
        pltpu.VMEM((16,), jnp.float32),
        pltpu.SemaphoreType.DMA,
        pltpu.SemaphoreType.DMA,
        pltpu.SemaphoreType.DMA,
    ],
)
def _sc_update(s_inv_hbm, idx_hbm, c_hbm, r_hbm, out_hbm, parts_hbm,
               slice_v, stamp_v, idx_v, cidx_v, cpos_v, cval_v, rval_v, val_v,
               part_v, isem, csem, gsem):
    wid = lax.axis_index("s") * _NC + lax.axis_index("c")
    obase = wid * _SLICE
    osize = jnp.where(wid == _NW - 1, _RMAX, _SLICE)
    iota = lax.iota(jnp.int32, 16)

    with jax.named_scope("fire_copy"):
        d_slice = pltpu.async_copy(
            s_inv_hbm.at[pl.ds(obase, _SLICE)],
            slice_v.at[pl.ds(0, _SLICE)], csem)

        @pl.when(wid == _NW - 1)
        def _():
            pltpu.async_copy(
                s_inv_hbm.at[pl.ds(_NW * _SLICE, _TAIL)],
                slice_v.at[pl.ds(_SLICE, _TAIL)], csem)

    with jax.named_scope("stage_in"):
        pltpu.async_copy(idx_hbm, idx_v, isem).wait()

    with jax.named_scope("scan"):
        def scan_body(i, cnt):
            sl = pl.ds(i * 16, 16)
            off = idx_v[sl] - obase
            inr = (off >= 0) & (off < osize)
            plsc.store_compressed(cidx_v.at[pl.ds(cnt, 16)], idx_v[sl], mask=inr)
            plsc.store_compressed(cpos_v.at[pl.ds(cnt, 16)], iota + i * 16,
                                  mask=inr)
            return cnt + jnp.sum(inr.astype(jnp.int32))

        cnt = lax.fori_loop(0, _NVEC, scan_body, jnp.int32(0))
        cidx_v[pl.ds(cnt, 16)] = jnp.broadcast_to(obase, (16,))
        cpos_v[pl.ds(cnt, 16)] = jnp.zeros((16,), jnp.int32)
        nch = (cnt + 15) // 16

    with jax.named_scope("gather"):
        def fire_g(j, _):
            sl = pl.ds(j * 16, 16)
            pltpu.async_copy(c_hbm.at[cpos_v[sl]], cval_v.at[sl], gsem)
            pltpu.async_copy(r_hbm.at[cpos_v[sl]], rval_v.at[sl], gsem)
            return 0

        lax.fori_loop(0, nch, fire_g, 0)

        def drain_g(j, _):
            pltpu.make_async_copy(
                s_inv_hbm.at[pl.ds(0, 16)], cval_v.at[pl.ds(j * 16, 16)], gsem
            ).wait()
            return 0

        lax.fori_loop(0, 2 * nch, drain_g, 0)

    with jax.named_scope("drain_copy"):
        d_slice.wait()

        @pl.when(wid == _NW - 1)
        def _():
            pltpu.make_async_copy(
                s_inv_hbm.at[pl.ds(_NW * _SLICE, _TAIL)],
                slice_v.at[pl.ds(_SLICE, _TAIL)], csem,
            ).wait()

    with jax.named_scope("compute"):
        def comp_body(j, acc):
            sl = pl.ds(j * 16, 16)
            off = cidx_v[sl] - obase
            valid = (iota + j * 16) < cnt
            s_cur = plsc.load_gather(slice_v, [off], mask=valid)
            val_v[sl] = _RHO * s_cur + cval_v[sl]
            return acc + jnp.where(valid, rval_v[sl] / s_cur, 0.0)

        acc = lax.fori_loop(0, nch, comp_body, jnp.zeros((16,), jnp.float32))

    with jax.named_scope("stamp"):
        def stamp_body(j, _):
            sl = pl.ds(j * 16, 16)
            ivc = cidx_v[sl]
            valid = (iota + j * 16) < cnt
            _, last = plsc.scan_count(ivc, mask=valid)
            m1 = valid & last
            plsc.store_scatter(stamp_v, [ivc - obase], cpos_v[sl], mask=m1)
            return 0

        lax.fori_loop(0, nch, stamp_body, 0)

    with jax.named_scope("scatter"):
        def scat_body(j, _):
            sl = pl.ds(j * 16, 16)
            ivc = cidx_v[sl]
            posv = cpos_v[sl]
            valid = (iota + j * 16) < cnt
            _, last = plsc.scan_count(ivc, mask=valid)
            m1 = valid & last
            stamped = plsc.load_gather(stamp_v, [ivc - obase], mask=m1)
            win = m1 & (stamped == posv)
            plsc.store_scatter(slice_v, [ivc - obase], val_v[sl], mask=win)
            return 0

        lax.fori_loop(0, nch, scat_body, 0)

    with jax.named_scope("copy_out"):
        d_out = pltpu.async_copy(
            slice_v.at[pl.ds(0, _SLICE)],
            out_hbm.at[pl.ds(obase, _SLICE)], csem)

        @pl.when(wid == _NW - 1)
        def _():
            pltpu.async_copy(
                slice_v.at[pl.ds(_SLICE, _TAIL)],
                out_hbm.at[pl.ds(_NW * _SLICE, _TAIL)], csem)

    with jax.named_scope("parts_out"):
        part_v[...] = jnp.broadcast_to(jnp.sum(acc), (16,))
        pltpu.sync_copy(part_v, parts_hbm.at[pl.ds(wid * 16, 16)])

    with jax.named_scope("drain_out"):
        d_out.wait()

        @pl.when(wid == _NW - 1)
        def _():
            pltpu.make_async_copy(
                slice_v.at[pl.ds(_SLICE, _TAIL)],
                out_hbm.at[pl.ds(_NW * _SLICE, _TAIL)], csem,
            ).wait()


def kernel(feats, feats_idx, s_inv):
    c, r, att = _dense_call(feats)
    new_s_inv, parts = _sc_update(s_inv, feats_idx, c, r)
    npow2 = jnp.float32(_N_DATA) ** 2
    rep = jnp.sum(parts) * (npow2 / jnp.float32(2 * _B * 16))
    loss = att[0, 0] + rep
    return loss, new_s_inv

# --- scband reference (transcript-rebuilt; emitter-appended) ---
"""Pipeline reference for scband-scl-68307159875722 (READ-ONLY COPY).

The authoritative reference and input builder live on the scoring server;
editing this copy changes nothing except your own understanding.
"""

import jax, jax.numpy as jnp
import numpy as np

N_DATA = 1000000
RHO = 0.99
ALPHA = 0.5
S_INIT = 2.0
EPS = 1e-6


def setup_inputs(seed: int = 0) -> dict:
    key = jax.random.key(seed)
    k1, k2 = jax.random.split(key)
    feats = jax.random.normal(k1, (8192, 128), dtype=jnp.float32)
    feats_idx = jax.random.randint(k2, (4096,), 0, N_DATA)
    # buffer state: s_inv = zeros(N) + 1/s_init
    s_inv = jnp.full((N_DATA,), 1.0 / S_INIT, dtype=jnp.float32)
    return {"feats": feats, "feats_idx": feats_idx, "s_inv": s_inv}


def reference(feats, feats_idx, s_inv):
    B = feats.shape[0] // 2
    feats_a = feats[:B]
    feats_b = feats[B:]
    # torch F.pairwise_distance adds eps=1e-6 to the difference
    d_attr_a = jnp.linalg.norm(feats_a - feats_b + EPS, axis=1)
    d_attr_b = jnp.linalg.norm(feats_b - feats_a + EPS, axis=1)
    q_attr_a = 1.0 / (1.0 + d_attr_a ** 2)
    q_attr_b = 1.0 / (1.0 + d_attr_b ** 2)
    attractive_a = -jnp.log(q_attr_a)
    attractive_b = -jnp.log(q_attr_b)

    neg_idxs = jnp.roll(jnp.arange(B), -1)
    d_rep_a = jnp.linalg.norm(feats_a - feats_b[neg_idxs] + EPS, axis=1)
    d_rep_b = jnp.linalg.norm(feats_b - feats_a[neg_idxs] + EPS, axis=1)
    q_rep_a = 1.0 / (1.0 + d_rep_a ** 2)
    q_rep_b = 1.0 / (1.0 + d_rep_b ** 2)

    Npow2 = jnp.float32(N_DATA) ** 2
    # gather s_inv rows (no_grad in torch)
    Z_hat = jax.lax.stop_gradient(s_inv[feats_idx]) / Npow2
    repulsive_a = q_rep_a / Z_hat
    repulsive_b = q_rep_b / Z_hat

    loss_a = attractive_a.mean() + repulsive_a.mean()
    loss_b = attractive_b.mean() + repulsive_b.mean()
    loss = (loss_a + loss_b) / 2.0

    # update_s (no_grad): EMA scatter-write back into s_inv
    qa = jax.lax.stop_gradient(q_attr_a)
    qb = jax.lax.stop_gradient(q_attr_b)
    qra = jax.lax.stop_gradient(q_rep_a)
    qrb = jax.lax.stop_gradient(q_rep_b)
    xi_a = ALPHA * qa + (1.0 - ALPHA) * qra
    xi_b = ALPHA * qb + (1.0 - ALPHA) * qrb
    s_cur = s_inv[feats_idx]
    s_inv_a = RHO * s_cur + (1.0 - RHO) * Npow2 * xi_a
    s_inv_b = RHO * s_cur + (1.0 - RHO) * Npow2 * xi_b
    new_s_inv = s_inv.at[feats_idx].set((s_inv_a + s_inv_b) / 2.0)
    return (loss, new_s_inv)

if __name__ == "__main__":
    import jax
    _d = setup_inputs()
    print(jax.jit(kernel)(*tuple(_d.values())))

</pallas_src>

<mosaic_0001>
#map = affine_map<(d0, d1) -> (0)>
module attributes {stable_mosaic.version = 14 : i64} {
  func.func @_sc_update(%arg0: i32, %arg1: i32, %arg2: memref<1000000xf32, #tpu.memory_space<hbm>>, %arg3: memref<4096xi32, #tpu.memory_space<hbm>>, %arg4: memref<4096xf32, #tpu.memory_space<hbm>>, %arg5: memref<4096xf32, #tpu.memory_space<hbm>>, %arg6: memref<1000000xf32, #tpu.memory_space<hbm>>, %arg7: memref<512xf32, #tpu.memory_space<hbm>>, %arg8: memref<31312xf32, #tpu.memory_space<vmem>>, %arg9: memref<31312xi32, #tpu.memory_space<vmem>>, %arg10: memref<4096xi32, #tpu.memory_space<vmem>>, %arg11: memref<4112xi32, #tpu.memory_space<vmem>>, %arg12: memref<4112xi32, #tpu.memory_space<vmem>>, %arg13: memref<4112xf32, #tpu.memory_space<vmem>>, %arg14: memref<4112xf32, #tpu.memory_space<vmem>>, %arg15: memref<4112xf32, #tpu.memory_space<vmem>>, %arg16: memref<16xf32, #tpu.memory_space<vmem>>, %arg17: memref<!tpu.dma_semaphore, #tpu.memory_space<semaphore_mem>>, %arg18: memref<!tpu.dma_semaphore, #tpu.memory_space<semaphore_mem>>, %arg19: memref<!tpu.dma_semaphore, #tpu.memory_space<semaphore_mem>>) attributes {dimension_semantics = [#tpu.dimension_semantics<core_parallel>, #tpu.dimension_semantics<subcore_parallel>], iteration_bounds = array<i64: 2, 16>, scalar_prefetch = 0 : i64, scratch_operands = 12 : i64, tpu.core_type = #tpu.core_type<sc_vector_subcore>, window_params = [{transform_indices = #map}, {transform_indices = #map}, {transform_indices = #map}, {transform_indices = #map}, {transform_indices = #map}, {transform_indices = #map}]} {
    %mul3A = arith.constant 2 : i32
    %mul3A_0 = arith.muli %arg1, %mul3A : i32
    %add3A = arith.addi %mul3A_0, %arg0 : i32
    %mul3A_1 = arith.constant 31248 : i32
    %mul3A_2 = arith.muli %add3A, %mul3A_1 : i32
    %eq3A = arith.constant 31 : i32
    %eq3A_3 = arith.cmpi eq, %add3A, %eq3A : i32
    %jit3A = arith.constant 31312 : i32
    %jit3A_4 = arith.constant 31248 : i32
    %select_n3A = arith.select %eq3A_3, %jit3A, %jit3A_4 : i32
    %iota3A = tpu.iota {dimensions = array<i32: 0>} : vector<16xi32>
    "tpu.trace_start"() <{level = 10 : i32, message = "fire_copy"}> : () -> ()
    %dma_start3A = arith.constant 0 : i32
    %dma_start3A_5 = tpu.memref_slice %arg8[%dma_start3A] : memref<31312xf32, #tpu.memory_space<vmem>> -> memref<31248xf32, #tpu.memory_space<vmem>>
    %dma_start3A_6 = tpu.memref_slice %arg2[%mul3A_2] : memref<1000000xf32, #tpu.memory_space<hbm>> -> memref<31248xf32, #tpu.memory_space<hbm>>
    %dma_start3A_7 = arith.constant 0 : i32
    %dma_start3A_8 = tpu.memref_slice %arg8[%dma_start3A_7] : memref<31312xf32, #tpu.memory_space<vmem>> -> memref<31248xf32, #tpu.memory_space<vmem>>
    %dma_start3A_9 = tpu.memref_slice %arg2[%mul3A_2] : memref<1000000xf32, #tpu.memory_space<hbm>> -> memref<31248xf32, #tpu.memory_space<hbm>>
    tpu.enqueue_dma source(%dma_start3A_9 : memref<31248xf32, #tpu.memory_space<hbm>>) target(%dma_start3A_8 : memref<31248xf32, #tpu.memory_space<vmem>>) target_semaphore(%arg18 : memref<!tpu.dma_semaphore, #tpu.memory_space<semaphore_mem>>)
    %eq3A_10 = arith.constant 31 : i32
    %eq3A_11 = arith.cmpi eq, %add3A, %eq3A_10 : i32
    %convert_element_type3A = arith.extui %eq3A_11 : i1 to i32
    %cond3A = arith.constant 0 : i32
    %cond3A_12 = arith.cmpi ne, %convert_element_type3A, %cond3A : i32
    scf.if %cond3A_12 {
      %dma_start3A_146 = arith.constant 31248 : i32
      %dma_start3A_147 = tpu.memref_slice %arg8[%dma_start3A_146] : memref<31312xf32, #tpu.memory_space<vmem>> -> memref<64xf32, #tpu.memory_space<vmem>>
      %dma_start3A_148 = arith.constant 999936 : i32
      %dma_start3A_149 = tpu.memref_slice %arg2[%dma_start3A_148] : memref<1000000xf32, #tpu.memory_space<hbm>> -> memref<64xf32, #tpu.memory_space<hbm>>
      %dma_start3A_150 = arith.constant 31248 : i32
      %dma_start3A_151 = tpu.memref_slice %arg8[%dma_start3A_150] : memref<31312xf32, #tpu.memory_space<vmem>> -> memref<64xf32, #tpu.memory_space<vmem>>
      %dma_start3A_152 = arith.constant 999936 : i32
      %dma_start3A_153 = tpu.memref_slice %arg2[%dma_start3A_152] : memref<1000000xf32, #tpu.memory_space<hbm>> -> memref<64xf32, #tpu.memory_space<hbm>>
      tpu.enqueue_dma source(%dma_start3A_153 : memref<64xf32, #tpu.memory_space<hbm>>) target(%dma_start3A_151 : memref<64xf32, #tpu.memory_space<vmem>>) target_semaphore(%arg18 : memref<!tpu.dma_semaphore, #tpu.memory_space<semaphore_mem>>)
    } else {
    }
    "tpu.trace_stop"() : () -> ()
    "tpu.trace_start"() <{level = 10 : i32, message = "stage_in"}> : () -> ()
    tpu.enqueue_dma source(%arg3 : memref<4096xi32, #tpu.memory_space<hbm>>) target(%arg10 : memref<4096xi32, #tpu.memory_space<vmem>>) target_semaphore(%arg17 : memref<!tpu.dma_semaphore, #tpu.memory_space<semaphore_mem>>)
    tpu.wait_dma2 semaphore(%arg17 : memref<!tpu.dma_semaphore, #tpu.memory_space<semaphore_mem>>) src(%arg3 : memref<4096xi32, #tpu.memory_space<hbm>>) dst(%arg10 : memref<4096xi32, #tpu.memory_space<vmem>>)
    "tpu.trace_stop"() : () -> ()
    "tpu.trace_start"() <{level = 10 : i32, message = "scan"}> : () -> ()
    %scan3A = arith.constant 0 : i32
    %scan3A_13 = arith.constant 0 : i32
    %scan3A_14 = arith.constant 256 : i32
    %scan3A_15 = arith.addi %scan3A_13, %scan3A_14 : i32
    %scan3A_16 = arith.constant 1 : i32
    %scan3A_17 = scf.for %scan3A_146 = %scan3A_13 to %scan3A_15 step %scan3A_16 iter_args(%scan3A_147 = %scan3A) -> (i32)  : i32 {
      %mul3A_148 = arith.constant 16 : i32
      %mul3A_149 = arith.muli %scan3A_146, %mul3A_148 : i32
      %get3A = arith.index_cast %mul3A_149 : i32 to index
      %get3A_150 = tpu.vector_load %arg10[%get3A] {strides = array<i32>} : memref<4096xi32, #tpu.memory_space<vmem>>, vector<16xi32>,
      %sub3A_151 = vector.broadcast %mul3A_2 : i32 to vector<16xi32>
      %sub3A_152 = arith.subi %get3A_150, %sub3A_151 : vector<16xi32>
      %ge3A = arith.constant 0 : i32
      %ge3A_153 = vector.broadcast %ge3A : i32 to vector<16xi32>
      %ge3A_154 = arith.cmpi sge, %sub3A_152, %ge3A_153 : vector<16xi32>
      %lt3A = vector.broadcast %select_n3A : i32 to vector<16xi32>
      %lt3A_155 = arith.cmpi slt, %sub3A_152, %lt3A : vector<16xi32>
      %and3A_156 = arith.andi %ge3A_154, %lt3A_155 : vector<16xi1>
      %get3A_157 = arith.index_cast %mul3A_149 : i32 to index
      %get3A_158 = tpu.vector_load %arg10[%get3A_157] {strides = array<i32>} : memref<4096xi32, #tpu.memory_space<vmem>>, vector<16xi32>,
      %swap3A_159 = arith.index_cast %scan3A_147 : i32 to index
      %swap3A_160 = tpu.vector_load %arg11[%swap3A_159] masked %and3A_156 {strides = array<i32>} : memref<4112xi32, #tpu.memory_space<vmem>>, vector<16xi32>, vector<16xi1>
      tpu.vector_store %arg11[%swap3A_159], %get3A_158 masked %and3A_156 {strides = array<i32>} : memref<4112xi32, #tpu.memory_space<vmem>>, vector<16xi32>, vector<16xi1>
      %mul3A_161 = arith.constant 16 : i32
      %mul3A_162 = arith.muli %scan3A_146, %mul3A_161 : i32
      %add3A_163 = vector.broadcast %mul3A_162 : i32 to vector<16xi32>
      %add3A_164 = arith.addi %iota3A, %add3A_163 : vector<16xi32>
      %swap3A_165 = arith.index_cast %scan3A_147 : i32 to index
      %swap3A_166 = tpu.vector_load %arg12[%swap3A_165] masked %and3A_156 {strides = array<i32>} : memref<4112xi32, #tpu.memory_space<vmem>>, vector<16xi32>, vector<16xi1>
      tpu.vector_store %arg12[%swap3A_165], %add3A_164 masked %and3A_156 {strides = array<i32>} : memref<4112xi32, #tpu.memory_space<vmem>>, vector<16xi32>, vector<16xi1>
      %convert_element_type3A_167 = arith.extui %and3A_156 : vector<16xi1> to vector<16xi32>
      %reduce_sum3A_168 = arith.constant true
      %reduce_sum3A_169 = vector.broadcast %reduce_sum3A_168 : i1 to vector<16xi1>
      %reduce_sum3A_170 = tpu.scan <sum>, %convert_element_type3A_167 masked %reduce_sum3A_169 : vector<16xi32>, vector<16xi1> -> vector<16xi32>
      %reduce_sum3A_171 = vector.extract %reduce_sum3A_170[15] : i32 from vector<16xi32>
      %add3A_172 = arith.addi %scan3A_147, %reduce_sum3A_171 : i32
      scf.yield %add3A_172 : i32
    }
    %scan3A_18 = arith.constant 256 : i32
    %broadcast_in_dim3A = vector.broadcast %mul3A_2 : i32 to vector<16xi32>
    %swap3A = arith.index_cast %scan3A_17 : i32 to index
    %swap3A_19 = tpu.vector_load %arg11[%swap3A] {strides = array<i32>} : memref<4112xi32, #tpu.memory_space<vmem>>, vector<16xi32>,
    tpu.vector_store %arg11[%swap3A], %broadcast_in_dim3A {strides = array<i32>} : memref<4112xi32, #tpu.memory_space<vmem>>, vector<16xi32>,
    %broadcast_in_dim3A_20 = arith.constant 0 : i32
    %broadcast_in_dim3A_21 = vector.broadcast %broadcast_in_dim3A_20 : i32 to vector<16xi32>
    %swap3A_22 = arith.index_cast %scan3A_17 : i32 to index
    %swap3A_23 = tpu.vector_load %arg12[%swap3A_22] {strides = array<i32>} : memref<4112xi32, #tpu.memory_space<vmem>>, vector<16xi32>,
    tpu.vector_store %arg12[%swap3A_22], %broadcast_in_dim3A_21 {strides = array<i32>} : memref<4112xi32, #tpu.memory_space<vmem>>, vector<16xi32>,
    %add3A_24 = arith.constant 15 : i32
    %add3A_25 = arith.addi %scan3A_17, %add3A_24 : i32
    %jit3A_26 = arith.constant 16 : i32
    %div3A = arith.divsi %add3A_25, %jit3A_26 : i32
    %sign3A = arith.constant 0 : i32
    %sign3A_27 = arith.cmpi sgt, %add3A_25, %sign3A : i32
    %sign3A_28 = arith.extui %sign3A_27 : i1 to i32
    %sign3A_29 = arith.constant 0 : i32
    %sign3A_30 = arith.cmpi slt, %add3A_25, %sign3A_29 : i32
    %sign3A_31 = arith.extui %sign3A_30 : i1 to i32
    %sign3A_32 = arith.subi %sign3A_28, %sign3A_31 : i32
    %sign3A_33 = arith.constant 0 : i32
    %sign3A_34 = arith.cmpi sgt, %jit3A_26, %sign3A_33 : i32
    %sign3A_35 = arith.extui %sign3A_34 : i1 to i32
    %sign3A_36 = arith.constant 0 : i32
    %sign3A_37 = arith.cmpi slt, %jit3A_26, %sign3A_36 : i32
    %sign3A_38 = arith.extui %sign3A_37 : i1 to i32
    %sign3A_39 = arith.subi %sign3A_35, %sign3A_38 : i32
    %ne3A = arith.cmpi ne, %sign3A_32, %sign3A_39 : i32
    %rem3A = arith.remsi %add3A_25, %jit3A_26 : i32
    %ne3A_40 = arith.constant 0 : i32
    %ne3A_41 = arith.cmpi ne, %rem3A, %ne3A_40 : i32
    %and3A = arith.andi %ne3A, %ne3A_41 : i1
    %sub3A = arith.constant 1 : i32
    %sub3A_42 = arith.subi %div3A, %sub3A : i32
    %select_n3A_43 = arith.select %and3A, %sub3A_42, %div3A : i32
    %while3A = arith.constant 0 : i32
    %while3A_44 = arith.constant 0 : i32
    "tpu.trace_stop"() : () -> ()
    "tpu.trace_start"() <{level = 10 : i32, message = "gather"}> : () -> ()
    %while3A_45 = arith.subi %select_n3A_43, %while3A : i32
    %while3A_46 = arith.addi %while3A, %while3A_45 : i32
    %while3A_47 = arith.constant 1 : i32
    %while3A_48 = arith.divsi %while3A_45, %while3A_47 : i32
    %while3A_49 = arith.muli %while3A_48, %while3A_47 : i32
    %while3A_50 = arith.addi %while3A, %while3A_49 : i32
    %while3A_51 = arith.constant 1 : i32
    %while3A_52 = scf.for %while3A_146 = %while3A to %while3A_50 step %while3A_51 iter_args(%while3A_147 = %while3A_44) -> (i32)  : i32 {
      %mul3A_148 = arith.constant 16 : i32
      %mul3A_149 = arith.muli %while3A_146, %mul3A_148 : i32
      %get3A = arith.index_cast %mul3A_149 : i32 to index
      %get3A_150 = tpu.vector_load %arg12[%get3A] {strides = array<i32>} : memref<4112xi32, #tpu.memory_space<vmem>>, vector<16xi32>,
      %dma_start3A_151 = tpu.memref_slice %arg13[%mul3A_149] : memref<4112xf32, #tpu.memory_space<vmem>> -> memref<16xf32, #tpu.memory_space<vmem>>
      %dma_start3A_152 = arith.constant 0 : i32
      %dma_start3A_153 = tpu.memref_slice %arg4[%dma_start3A_152] : memref<4096xf32, #tpu.memory_space<hbm>> -> memref<4096xf32, #tpu.memory_space<hbm>>
      tpu.enqueue_indirect_dma source(%dma_start3A_153 : memref<4096xf32, #tpu.memory_space<hbm>>) target(%dma_start3A_151 : memref<16xf32, #tpu.memory_space<vmem>>) offsets(%get3A_150 : vector<16xi32>) semaphore(%arg19 : memref<!tpu.dma_semaphore, #tpu.memory_space<semaphore_mem>>)
      %get3A_154 = arith.index_cast %mul3A_149 : i32 to index
      %get3A_155 = tpu.vector_load %arg12[%get3A_154] {strides = array<i32>} : memref<4112xi32, #tpu.memory_space<vmem>>, vector<16xi32>,
      %dma_start3A_156 = tpu.memref_slice %arg14[%mul3A_149] : memref<4112xf32, #tpu.memory_space<vmem>> -> memref<16xf32, #tpu.memory_space<vmem>>
      %dma_start3A_157 = arith.constant 0 : i32
      %dma_start3A_158 = tpu.memref_slice %arg5[%dma_start3A_157] : memref<4096xf32, #tpu.memory_space<hbm>> -> memref<4096xf32, #tpu.memory_space<hbm>>
      tpu.enqueue_indirect_dma source(%dma_start3A_158 : memref<4096xf32, #tpu.memory_space<hbm>>) target(%dma_start3A_156 : memref<16xf32, #tpu.memory_space<vmem>>) offsets(%get3A_155 : vector<16xi32>) semaphore(%arg19 : memref<!tpu.dma_semaphore, #tpu.memory_space<semaphore_mem>>)
      %while3A_159 = arith.constant 0 : i32
      scf.yield %while3A_159 : i32
    }
    %while3A_53 = arith.constant 1 : i32
    %while3A_54 = scf.for %while3A_146 = %while3A_50 to %while3A_46 step %while3A_53 iter_args(%while3A_147 = %while3A_52) -> (i32)  : i32 {
      %mul3A_148 = arith.constant 16 : i32
      %mul3A_149 = arith.muli %while3A_146, %mul3A_148 : i32
      %get3A = arith.index_cast %mul3A_149 : i32 to index
      %get3A_150 = tpu.vector_load %arg12[%get3A] {strides = array<i32>} : memref<4112xi32, #tpu.memory_space<vmem>>, vector<16xi32>,
      %dma_start3A_151 = tpu.memref_slice %arg13[%mul3A_149] : memref<4112xf32, #tpu.memory_space<vmem>> -> memref<16xf32, #tpu.memory_space<vmem>>
      %dma_start3A_152 = arith.constant 0 : i32
      %dma_start3A_153 = tpu.memref_slice %arg4[%dma_start3A_152] : memref<4096xf32, #tpu.memory_space<hbm>> -> memref<4096xf32, #tpu.memory_space<hbm>>
      tpu.enqueue_indirect_dma source(%dma_start3A_153 : memref<4096xf32, #tpu.memory_space<hbm>>) target(%dma_start3A_151 : memref<16xf32, #tpu.memory_space<vmem>>) offsets(%get3A_150 : vector<16xi32>) semaphore(%arg19 : memref<!tpu.dma_semaphore, #tpu.memory_space<semaphore_mem>>)
      %get3A_154 = arith.index_cast %mul3A_149 : i32 to index
      %get3A_155 = tpu.vector_load %arg12[%get3A_154] {strides = array<i32>} : memref<4112xi32, #tpu.memory_space<vmem>>, vector<16xi32>,
      %dma_start3A_156 = tpu.memref_slice %arg14[%mul3A_149] : memref<4112xf32, #tpu.memory_space<vmem>> -> memref<16xf32, #tpu.memory_space<vmem>>
      %dma_start3A_157 = arith.constant 0 : i32
      %dma_start3A_158 = tpu.memref_slice %arg5[%dma_start3A_157] : memref<4096xf32, #tpu.memory_space<hbm>> -> memref<4096xf32, #tpu.memory_space<hbm>>
      tpu.enqueue_indirect_dma source(%dma_start3A_158 : memref<4096xf32, #tpu.memory_space<hbm>>) target(%dma_start3A_156 : memref<16xf32, #tpu.memory_space<vmem>>) offsets(%get3A_155 : vector<16xi32>) semaphore(%arg19 : memref<!tpu.dma_semaphore, #tpu.memory_space<semaphore_mem>>)
      %while3A_159 = arith.constant 0 : i32
      scf.yield %while3A_159 : i32
    }
    %mul3A_55 = arith.constant 2 : i32
    %mul3A_56 = arith.muli %mul3A_55, %select_n3A_43 : i32
    %while3A_57 = arith.constant 0 : i32
    %while3A_58 = arith.constant 0 : i32
    %while3A_59 = arith.subi %mul3A_56, %while3A_57 : i32
    %while3A_60 = arith.addi %while3A_57, %while3A_59 : i32
    %while3A_61 = arith.constant 1 : i32
    %while3A_62 = arith.divsi %while3A_59, %while3A_61 : i32
    %while3A_63 = arith.muli %while3A_62, %while3A_61 : i32
    %while3A_64 = arith.addi %while3A_57, %while3A_63 : i32
    %while3A_65 = arith.constant 1 : i32
    %while3A_66 = scf.for %while3A_146 = %while3A_57 to %while3A_64 step %while3A_65 iter_args(%while3A_147 = %while3A_58) -> (i32)  : i32 {
      %mul3A_148 = arith.constant 16 : i32
      %mul3A_149 = arith.muli %while3A_146, %mul3A_148 : i32
      %dma_wait3A_150 = tpu.memref_slice %arg13[%mul3A_149] : memref<4112xf32, #tpu.memory_space<vmem>> -> memref<16xf32, #tpu.memory_space<vmem>>
      %dma_wait3A_151 = arith.constant 0 : i32
      %dma_wait3A_152 = tpu.memref_slice %arg2[%dma_wait3A_151] : memref<1000000xf32, #tpu.memory_space<hbm>> -> memref<16xf32, #tpu.memory_space<hbm>>
      %dma_wait3A_153 = tpu.memref_slice %arg13[%mul3A_149] : memref<4112xf32, #tpu.memory_space<vmem>> -> memref<16xf32, #tpu.memory_space<vmem>>
      %dma_wait3A_154 = arith.constant 0 : i32
      %dma_wait3A_155 = tpu.memref_slice %arg2[%dma_wait3A_154] : memref<1000000xf32, #tpu.memory_space<hbm>> -> memref<16xf32, #tpu.memory_space<hbm>>
      tpu.wait_dma2 semaphore(%arg19 : memref<!tpu.dma_semaphore, #tpu.memory_space<semaphore_mem>>) src(%dma_wait3A_155 : memref<16xf32, #tpu.memory_space<hbm>>) dst(%dma_wait3A_153 : memref<16xf32, #tpu.memory_space<vmem>>)
      %while3A_156 = arith.constant 0 : i32
      scf.yield %while3A_156 : i32
    }
    %while3A_67 = arith.constant 1 : i32
    %while3A_68 = scf.for %while3A_146 = %while3A_64 to %while3A_60 step %while3A_67 iter_args(%while3A_147 = %while3A_66) -> (i32)  : i32 {
      %mul3A_148 = arith.constant 16 : i32
      %mul3A_149 = arith.muli %while3A_146, %mul3A_148 : i32
      %dma_wait3A_150 = tpu.memref_slice %arg13[%mul3A_149] : memref<4112xf32, #tpu.memory_space<vmem>> -> memref<16xf32, #tpu.memory_space<vmem>>
      %dma_wait3A_151 = arith.constant 0 : i32
      %dma_wait3A_152 = tpu.memref_slice %arg2[%dma_wait3A_151] : memref<1000000xf32, #tpu.memory_space<hbm>> -> memref<16xf32, #tpu.memory_space<hbm>>
      %dma_wait3A_153 = tpu.memref_slice %arg13[%mul3A_149] : memref<4112xf32, #tpu.memory_space<vmem>> -> memref<16xf32, #tpu.memory_space<vmem>>
      %dma_wait3A_154 = arith.constant 0 : i32
      %dma_wait3A_155 = tpu.memref_slice %arg2[%dma_wait3A_154] : memref<1000000xf32, #tpu.memory_space<hbm>> -> memref<16xf32, #tpu.memory_space<hbm>>
      tpu.wait_dma2 semaphore(%arg19 : memref<!tpu.dma_semaphore, #tpu.memory_space<semaphore_mem>>) src(%dma_wait3A_155 : memref<16xf32, #tpu.memory_space<hbm>>) dst(%dma_wait3A_153 : memref<16xf32, #tpu.memory_space<vmem>>)
      %while3A_156 = arith.constant 0 : i32
      scf.yield %while3A_156 : i32
    }
    "tpu.trace_stop"() : () -> ()
    "tpu.trace_start"() <{level = 10 : i32, message = "drain_copy"}> : () -> ()
    %dma_wait3A = arith.constant 0 : i32
    %dma_wait3A_69 = tpu.memref_slice %arg8[%dma_wait3A] : memref<31312xf32, #tpu.memory_space<vmem>> -> memref<31248xf32, #tpu.memory_space<vmem>>
    %dma_wait3A_70 = tpu.memref_slice %arg2[%mul3A_2] : memref<1000000xf32, #tpu.memory_space<hbm>> -> memref<31248xf32, #tpu.memory_space<hbm>>
    %dma_wait3A_71 = arith.constant 0 : i32
    %dma_wait3A_72 = tpu.memref_slice %arg8[%dma_wait3A_71] : memref<31312xf32, #tpu.memory_space<vmem>> -> memref<31248xf32, #tpu.memory_space<vmem>>
    %dma_wait3A_73 = tpu.memref_slice %arg2[%mul3A_2] : memref<1000000xf32, #tpu.memory_space<hbm>> -> memref<31248xf32, #tpu.memory_space<hbm>>
    tpu.wait_dma2 semaphore(%arg18 : memref<!tpu.dma_semaphore, #tpu.memory_space<semaphore_mem>>) src(%dma_wait3A_73 : memref<31248xf32, #tpu.memory_space<hbm>>) dst(%dma_wait3A_72 : memref<31248xf32, #tpu.memory_space<vmem>>)
    %eq3A_74 = arith.constant 31 : i32
    %eq3A_75 = arith.cmpi eq, %add3A, %eq3A_74 : i32
    %convert_element_type3A_76 = arith.extui %eq3A_75 : i1 to i32
    %cond3A_77 = arith.constant 0 : i32
    %cond3A_78 = arith.cmpi ne, %convert_element_type3A_76, %cond3A_77 : i32
    scf.if %cond3A_78 {
      %dma_wait3A_146 = arith.constant 31248 : i32
      %dma_wait3A_147 = tpu.memref_slice %arg8[%dma_wait3A_146] : memref<31312xf32, #tpu.memory_space<vmem>> -> memref<64xf32, #tpu.memory_space<vmem>>
      %dma_wait3A_148 = arith.constant 999936 : i32
      %dma_wait3A_149 = tpu.memref_slice %arg2[%dma_wait3A_148] : memref<1000000xf32, #tpu.memory_space<hbm>> -> memref<64xf32, #tpu.memory_space<hbm>>
      %dma_wait3A_150 = arith.constant 31248 : i32
      %dma_wait3A_151 = tpu.memref_slice %arg8[%dma_wait3A_150] : memref<31312xf32, #tpu.memory_space<vmem>> -> memref<64xf32, #tpu.memory_space<vmem>>
      %dma_wait3A_152 = arith.constant 999936 : i32
      %dma_wait3A_153 = tpu.memref_slice %arg2[%dma_wait3A_152] : memref<1000000xf32, #tpu.memory_space<hbm>> -> memref<64xf32, #tpu.memory_space<hbm>>
      tpu.wait_dma2 semaphore(%arg18 : memref<!tpu.dma_semaphore, #tpu.memory_space<semaphore_mem>>) src(%dma_wait3A_153 : memref<64xf32, #tpu.memory_space<hbm>>) dst(%dma_wait3A_151 : memref<64xf32, #tpu.memory_space<vmem>>)
    } else {
    }
    %broadcast_in_dim3A_79 = arith.constant 0.000000e+00 : f32
    "tpu.trace_stop"() : () -> ()
    "tpu.trace_start"() <{level = 10 : i32, message = "compute"}> : () -> ()
    %broadcast_in_dim3A_80 = vector.broadcast %broadcast_in_dim3A_79 : f32 to vector<16xf32>
    %while3A_81 = arith.constant 0 : i32
    %while3A_82 = arith.subi %select_n3A_43, %while3A_81 : i32
    %while3A_83 = arith.addi %while3A_81, %while3A_82 : i32
    %while3A_84 = arith.constant 1 : i32
    %while3A_85 = arith.divsi %while3A_82, %while3A_84 : i32
    %while3A_86 = arith.muli %while3A_85, %while3A_84 : i32
    %while3A_87 = arith.addi %while3A_81, %while3A_86 : i32
    %while3A_88 = arith.constant 1 : i32
    %while3A_89 = scf.for %while3A_146 = %while3A_81 to %while3A_87 step %while3A_88 iter_args(%while3A_147 = %broadcast_in_dim3A_80) -> (vector<16xf32>)  : i32 {
      %mul3A_148 = arith.constant 16 : i32
      %mul3A_149 = arith.muli %while3A_146, %mul3A_148 : i32
      %get3A = arith.index_cast %mul3A_149 : i32 to index
      %get3A_150 = tpu.vector_load %arg11[%get3A] {strides = array<i32>} : memref<4112xi32, #tpu.memory_space<vmem>>, vector<16xi32>,
      %sub3A_151 = vector.broadcast %mul3A_2 : i32 to vector<16xi32>
      %sub3A_152 = arith.subi %get3A_150, %sub3A_151 : vector<16xi32>
      %mul3A_153 = arith.constant 16 : i32
      %mul3A_154 = arith.muli %while3A_146, %mul3A_153 : i32
      %add3A_155 = vector.broadcast %mul3A_154 : i32 to vector<16xi32>
      %add3A_156 = arith.addi %iota3A, %add3A_155 : vector<16xi32>
      %lt3A = vector.broadcast %scan3A_17 : i32 to vector<16xi32>
      %lt3A_157 = arith.cmpi slt, %add3A_156, %lt3A : vector<16xi32>
      %gather3A = tpu.vector_load_idx %arg8[%sub3A_152] masked %lt3A_157 : memref<31312xf32, #tpu.memory_space<vmem>>[vector<16xi32>], vector<16xf32>, vector<16xi1>
      %mul3A_158 = arith.constant 9.900000e-01 : f32
      %mul3A_159 = vector.broadcast %mul3A_158 : f32 to vector<16xf32>
      %mul3A_160 = arith.mulf %mul3A_159, %gather3A : vector<16xf32>
      %get3A_161 = arith.index_cast %mul3A_149 : i32 to index
      %get3A_162 = tpu.vector_load %arg13[%get3A_161] {strides = array<i32>} : memref<4112xf32, #tpu.memory_space<vmem>>, vector<16xf32>,
      %add3A_163 = arith.addf %mul3A_160, %get3A_162 : vector<16xf32>
      %swap3A_164 = arith.index_cast %mul3A_149 : i32 to index
      %swap3A_165 = tpu.vector_load %arg15[%swap3A_164] {strides = array<i32>} : memref<4112xf32, #tpu.memory_space<vmem>>, vector<16xf32>,
      tpu.vector_store %arg15[%swap3A_164], %add3A_163 {strides = array<i32>} : memref<4112xf32, #tpu.memory_space<vmem>>, vector<16xf32>,
      %get3A_166 = arith.index_cast %mul3A_149 : i32 to index
      %get3A_167 = tpu.vector_load %arg14[%get3A_166] {strides = array<i32>} : memref<4112xf32, #tpu.memory_space<vmem>>, vector<16xf32>,
      %div3A_168 = arith.divf %get3A_167, %gather3A : vector<16xf32>
      %jit3A_169 = arith.constant 0.000000e+00 : f32
      %broadcast_in_dim3A_170 = vector.broadcast %jit3A_169 : f32 to vector<16xf32>
      %select_n3A_171 = arith.select %lt3A_157, %div3A_168, %broadcast_in_dim3A_170 : vector<16xi1>, vector<16xf32>
      %add3A_172 = arith.addf %while3A_147, %select_n3A_171 : vector<16xf32>
      scf.yield %add3A_172 : vector<16xf32>
    }
    %while3A_90 = arith.constant 1 : i32
    %while3A_91 = scf.for %while3A_146 = %while3A_87 to %while3A_83 step %while3A_90 iter_args(%while3A_147 = %while3A_89) -> (vector<16xf32>)  : i32 {
      %mul3A_148 = arith.constant 16 : i32
      %mul3A_149 = arith.muli %while3A_146, %mul3A_148 : i32
      %get3A = arith.index_cast %mul3A_149 : i32 to index
      %get3A_150 = tpu.vector_load %arg11[%get3A] {strides = array<i32>} : memref<4112xi32, #tpu.memory_space<vmem>>, vector<16xi32>,
      %sub3A_151 = vector.broadcast %mul3A_2 : i32 to vector<16xi32>
      %sub3A_152 = arith.subi %get3A_150, %sub3A_151 : vector<16xi32>
      %mul3A_153 = arith.constant 16 : i32
      %mul3A_154 = arith.muli %while3A_146, %mul3A_153 : i32
      %add3A_155 = vector.broadcast %mul3A_154 : i32 to vector<16xi32>
      %add3A_156 = arith.addi %iota3A, %add3A_155 : vector<16xi32>
      %lt3A = vector.broadcast %scan3A_17 : i32 to vector<16xi32>
      %lt3A_157 = arith.cmpi slt, %add3A_156, %lt3A : vector<16xi32>
      %gather3A = tpu.vector_load_idx %arg8[%sub3A_152] masked %lt3A_157 : memref<31312xf32, #tpu.memory_space<vmem>>[vector<16xi32>], vector<16xf32>, vector<16xi1>
      %mul3A_158 = arith.constant 9.900000e-01 : f32
      %mul3A_159 = vector.broadcast %mul3A_158 : f32 to vector<16xf32>
      %mul3A_160 = arith.mulf %mul3A_159, %gather3A : vector<16xf32>
      %get3A_161 = arith.index_cast %mul3A_149 : i32 to index
      %get3A_162 = tpu.vector_load %arg13[%get3A_161] {strides = array<i32>} : memref<4112xf32, #tpu.memory_space<vmem>>, vector<16xf32>,
      %add3A_163 = arith.addf %mul3A_160, %get3A_162 : vector<16xf32>
      %swap3A_164 = arith.index_cast %mul3A_149 : i32 to index
      %swap3A_165 = tpu.vector_load %arg15[%swap3A_164] {strides = array<i32>} : memref<4112xf32, #tpu.memory_space<vmem>>, vector<16xf32>,
      tpu.vector_store %arg15[%swap3A_164], %add3A_163 {strides = array<i32>} : memref<4112xf32, #tpu.memory_space<vmem>>, vector<16xf32>,
      %get3A_166 = arith.index_cast %mul3A_149 : i32 to index
      %get3A_167 = tpu.vector_load %arg14[%get3A_166] {strides = array<i32>} : memref<4112xf32, #tpu.memory_space<vmem>>, vector<16xf32>,
      %div3A_168 = arith.divf %get3A_167, %gather3A : vector<16xf32>
      %jit3A_169 = arith.constant 0.000000e+00 : f32
      %broadcast_in_dim3A_170 = vector.broadcast %jit3A_169 : f32 to vector<16xf32>
      %select_n3A_171 = arith.select %lt3A_157, %div3A_168, %broadcast_in_dim3A_170 : vector<16xi1>, vector<16xf32>
      %add3A_172 = arith.addf %while3A_147, %select_n3A_171 : vector<16xf32>
      scf.yield %add3A_172 : vector<16xf32>
    }
    %while3A_92 = arith.constant 0 : i32
    %while3A_93 = arith.constant 0 : i32
    "tpu.trace_stop"() : () -> ()
    "tpu.trace_start"() <{level = 10 : i32, message = "stamp"}> : () -> ()
    %while3A_94 = arith.subi %select_n3A_43, %while3A_92 : i32
    %while3A_95 = arith.addi %while3A_92, %while3A_94 : i32
    %while3A_96 = arith.constant 1 : i32
    %while3A_97 = arith.divsi %while3A_94, %while3A_96 : i32
    %while3A_98 = arith.muli %while3A_97, %while3A_96 : i32
    %while3A_99 = arith.addi %while3A_92, %while3A_98 : i32
    %while3A_100 = arith.constant 1 : i32
    %while3A_101 = scf.for %while3A_146 = %while3A_92 to %while3A_99 step %while3A_100 iter_args(%while3A_147 = %while3A_93) -> (i32)  : i32 {
      %mul3A_148 = arith.constant 16 : i32
      %mul3A_149 = arith.muli %while3A_146, %mul3A_148 : i32
      %get3A = arith.index_cast %mul3A_149 : i32 to index
      %get3A_150 = tpu.vector_load %arg11[%get3A] {strides = array<i32>} : memref<4112xi32, #tpu.memory_space<vmem>>, vector<16xi32>,
      %mul3A_151 = arith.constant 16 : i32
      %mul3A_152 = arith.muli %while3A_146, %mul3A_151 : i32
      %add3A_153 = vector.broadcast %mul3A_152 : i32 to vector<16xi32>
      %add3A_154 = arith.addi %iota3A, %add3A_153 : vector<16xi32>
      %lt3A = vector.broadcast %scan3A_17 : i32 to vector<16xi32>
      %lt3A_155 = arith.cmpi slt, %add3A_154, %lt3A : vector<16xi32>
      %unique3A, %unique3A_156 = tpu.scan_count mask(%lt3A_155 : vector<16xi1>) value(%get3A_150 : vector<16xi32>) : vector<16xi1>, vector<16xi32>
      %and3A_157 = arith.andi %lt3A_155, %unique3A : vector<16xi1>
      %sub3A_158 = vector.broadcast %mul3A_2 : i32 to vector<16xi32>
      %sub3A_159 = arith.subi %get3A_150, %sub3A_158 : vector<16xi32>
      %get3A_160 = arith.index_cast %mul3A_149 : i32 to index
      %get3A_161 = tpu.vector_load %arg12[%get3A_160] {strides = array<i32>} : memref<4112xi32, #tpu.memory_space<vmem>>, vector<16xi32>,
      tpu.vector_store_idx %arg9[%sub3A_159], %get3A_161 masked %and3A_157 : memref<31312xi32, #tpu.memory_space<vmem>>[vector<16xi32>], vector<16xi32>, vector<16xi1>
      %while3A_162 = arith.constant 0 : i32
      scf.yield %while3A_162 : i32
    }
    %while3A_102 = arith.constant 1 : i32
    %while3A_103 = scf.for %while3A_146 = %while3A_99 to %while3A_95 step %while3A_102 iter_args(%while3A_147 = %while3A_101) -> (i32)  : i32 {
      %mul3A_148 = arith.constant 16 : i32
      %mul3A_149 = arith.muli %while3A_146, %mul3A_148 : i32
      %get3A = arith.index_cast %mul3A_149 : i32 to index
      %get3A_150 = tpu.vector_load %arg11[%get3A] {strides = array<i32>} : memref<4112xi32, #tpu.memory_space<vmem>>, vector<16xi32>,
      %mul3A_151 = arith.constant 16 : i32
      %mul3A_152 = arith.muli %while3A_146, %mul3A_151 : i32
      %add3A_153 = vector.broadcast %mul3A_152 : i32 to vector<16xi32>
      %add3A_154 = arith.addi %iota3A, %add3A_153 : vector<16xi32>
      %lt3A = vector.broadcast %scan3A_17 : i32 to vector<16xi32>
      %lt3A_155 = arith.cmpi slt, %add3A_154, %lt3A : vector<16xi32>
      %unique3A, %unique3A_156 = tpu.scan_count mask(%lt3A_155 : vector<16xi1>) value(%get3A_150 : vector<16xi32>) : vector<16xi1>, vector<16xi32>
      %and3A_157 = arith.andi %lt3A_155, %unique3A : vector<16xi1>
      %sub3A_158 = vector.broadcast %mul3A_2 : i32 to vector<16xi32>
      %sub3A_159 = arith.subi %get3A_150, %sub3A_158 : vector<16xi32>
      %get3A_160 = arith.index_cast %mul3A_149 : i32 to index
      %get3A_161 = tpu.vector_load %arg12[%get3A_160] {strides = array<i32>} : memref<4112xi32, #tpu.memory_space<vmem>>, vector<16xi32>,
      tpu.vector_store_idx %arg9[%sub3A_159], %get3A_161 masked %and3A_157 : memref<31312xi32, #tpu.memory_space<vmem>>[vector<16xi32>], vector<16xi32>, vector<16xi1>
      %while3A_162 = arith.constant 0 : i32
      scf.yield %while3A_162 : i32
    }
    %while3A_104 = arith.constant 0 : i32
    %while3A_105 = arith.constant 0 : i32
    "tpu.trace_stop"() : () -> ()
    "tpu.trace_start"() <{level = 10 : i32, message = "scatter"}> : () -> ()
    %while3A_106 = arith.subi %select_n3A_43, %while3A_104 : i32
    %while3A_107 = arith.addi %while3A_104, %while3A_106 : i32
    %while3A_108 = arith.constant 1 : i32
    %while3A_109 = arith.divsi %while3A_106, %while3A_108 : i32
    %while3A_110 = arith.muli %while3A_109, %while3A_108 : i32
    %while3A_111 = arith.addi %while3A_104, %while3A_110 : i32
    %while3A_112 = arith.constant 1 : i32
    %while3A_113 = scf.for %while3A_146 = %while3A_104 to %while3A_111 step %while3A_112 iter_args(%while3A_147 = %while3A_105) -> (i32)  : i32 {
      %mul3A_148 = arith.constant 16 : i32
      %mul3A_149 = arith.muli %while3A_146, %mul3A_148 : i32
      %get3A = arith.index_cast %mul3A_149 : i32 to index
      %get3A_150 = tpu.vector_load %arg11[%get3A] {strides = array<i32>} : memref<4112xi32, #tpu.memory_space<vmem>>, vector<16xi32>,
      %get3A_151 = arith.index_cast %mul3A_149 : i32 to index
      %get3A_152 = tpu.vector_load %arg12[%get3A_151] {strides = array<i32>} : memref<4112xi32, #tpu.memory_space<vmem>>, vector<16xi32>,
      %mul3A_153 = arith.constant 16 : i32
      %mul3A_154 = arith.muli %while3A_146, %mul3A_153 : i32
      %add3A_155 = vector.broadcast %mul3A_154 : i32 to vector<16xi32>
      %add3A_156 = arith.addi %iota3A, %add3A_155 : vector<16xi32>
      %lt3A = vector.broadcast %scan3A_17 : i32 to vector<16xi32>
      %lt3A_157 = arith.cmpi slt, %add3A_156, %lt3A : vector<16xi32>
      %unique3A, %unique3A_158 = tpu.scan_count mask(%lt3A_157 : vector<16xi1>) value(%get3A_150 : vector<16xi32>) : vector<16xi1>, vector<16xi32>
      %and3A_159 = arith.andi %lt3A_157, %unique3A : vector<16xi1>
      %sub3A_160 = vector.broadcast %mul3A_2 : i32 to vector<16xi32>
      %sub3A_161 = arith.subi %get3A_150, %sub3A_160 : vector<16xi32>
      %gather3A = tpu.vector_load_idx %arg9[%sub3A_161] masked %and3A_159 : memref<31312xi32, #tpu.memory_space<vmem>>[vector<16xi32>], vector<16xi32>, vector<16xi1>
      %eq3A_162 = arith.cmpi eq, %gather3A, %get3A_152 : vector<16xi32>
      %and3A_163 = arith.andi %and3A_159, %eq3A_162 : vector<16xi1>
      %sub3A_164 = vector.broadcast %mul3A_2 : i32 to vector<16xi32>
      %sub3A_165 = arith.subi %get3A_150, %sub3A_164 : vector<16xi32>
      %get3A_166 = arith.index_cast %mul3A_149 : i32 to index
      %get3A_167 = tpu.vector_load %arg15[%get3A_166] {strides = array<i32>} : memref<4112xf32, #tpu.memory_space<vmem>>, vector<16xf32>,
      tpu.vector_store_idx %arg8[%sub3A_165], %get3A_167 masked %and3A_163 : memref<31312xf32, #tpu.memory_space<vmem>>[vector<16xi32>], vector<16xf32>, vector<16xi1>
      %while3A_168 = arith.constant 0 : i32
      scf.yield %while3A_168 : i32
    }
    %while3A_114 = arith.constant 1 : i32
    %while3A_115 = scf.for %while3A_146 = %while3A_111 to %while3A_107 step %while3A_114 iter_args(%while3A_147 = %while3A_113) -> (i32)  : i32 {
      %mul3A_148 = arith.constant 16 : i32
      %mul3A_149 = arith.muli %while3A_146, %mul3A_148 : i32
      %get3A = arith.index_cast %mul3A_149 : i32 to index
      %get3A_150 = tpu.vector_load %arg11[%get3A] {strides = array<i32>} : memref<4112xi32, #tpu.memory_space<vmem>>, vector<16xi32>,
      %get3A_151 = arith.index_cast %mul3A_149 : i32 to index
      %get3A_152 = tpu.vector_load %arg12[%get3A_151] {strides = array<i32>} : memref<4112xi32, #tpu.memory_space<vmem>>, vector<16xi32>,
      %mul3A_153 = arith.constant 16 : i32
      %mul3A_154 = arith.muli %while3A_146, %mul3A_153 : i32
      %add3A_155 = vector.broadcast %mul3A_154 : i32 to vector<16xi32>
      %add3A_156 = arith.addi %iota3A, %add3A_155 : vector<16xi32>
      %lt3A = vector.broadcast %scan3A_17 : i32 to vector<16xi32>
      %lt3A_157 = arith.cmpi slt, %add3A_156, %lt3A : vector<16xi32>
      %unique3A, %unique3A_158 = tpu.scan_count mask(%lt3A_157 : vector<16xi1>) value(%get3A_150 : vector<16xi32>) : vector<16xi1>, vector<16xi32>
      %and3A_159 = arith.andi %lt3A_157, %unique3A : vector<16xi1>
      %sub3A_160 = vector.broadcast %mul3A_2 : i32 to vector<16xi32>
      %sub3A_161 = arith.subi %get3A_150, %sub3A_160 : vector<16xi32>
      %gather3A = tpu.vector_load_idx %arg9[%sub3A_161] masked %and3A_159 : memref<31312xi32, #tpu.memory_space<vmem>>[vector<16xi32>], vector<16xi32>, vector<16xi1>
      %eq3A_162 = arith.cmpi eq, %gather3A, %get3A_152 : vector<16xi32>
      %and3A_163 = arith.andi %and3A_159, %eq3A_162 : vector<16xi1>
      %sub3A_164 = vector.broadcast %mul3A_2 : i32 to vector<16xi32>
      %sub3A_165 = arith.subi %get3A_150, %sub3A_164 : vector<16xi32>
      %get3A_166 = arith.index_cast %mul3A_149 : i32 to index
      %get3A_167 = tpu.vector_load %arg15[%get3A_166] {strides = array<i32>} : memref<4112xf32, #tpu.memory_space<vmem>>, vector<16xf32>,
      tpu.vector_store_idx %arg8[%sub3A_165], %get3A_167 masked %and3A_163 : memref<31312xf32, #tpu.memory_space<vmem>>[vector<16xi32>], vector<16xf32>, vector<16xi1>
      %while3A_168 = arith.constant 0 : i32
      scf.yield %while3A_168 : i32
    }
    "tpu.trace_stop"() : () -> ()
    "tpu.trace_start"() <{level = 10 : i32, message = "copy_out"}> : () -> ()
    %dma_start3A_116 = arith.constant 0 : i32
    %dma_start3A_117 = tpu.memref_slice %arg8[%dma_start3A_116] : memref<31312xf32, #tpu.memory_space<vmem>> -> memref<31248xf32, #tpu.memory_space<vmem>>
    %dma_start3A_118 = tpu.memref_slice %arg6[%mul3A_2] : memref<1000000xf32, #tpu.memory_space<hbm>> -> memref<31248xf32, #tpu.memory_space<hbm>>
    %dma_start3A_119 = tpu.memref_slice %arg6[%mul3A_2] : memref<1000000xf32, #tpu.memory_space<hbm>> -> memref<31248xf32, #tpu.memory_space<hbm>>
    %dma_start3A_120 = arith.constant 0 : i32
    %dma_start3A_121 = tpu.memref_slice %arg8[%dma_start3A_120] : memref<31312xf32, #tpu.memory_space<vmem>> -> memref<31248xf32, #tpu.memory_space<vmem>>
    tpu.enqueue_dma source(%dma_start3A_121 : memref<31248xf32, #tpu.memory_space<vmem>>) target(%dma_start3A_119 : memref<31248xf32, #tpu.memory_space<hbm>>) target_semaphore(%arg18 : memref<!tpu.dma_semaphore, #tpu.memory_space<semaphore_mem>>)
    %eq3A_122 = arith.constant 31 : i32
    %eq3A_123 = arith.cmpi eq, %add3A, %eq3A_122 : i32
    %convert_element_type3A_124 = arith.extui %eq3A_123 : i1 to i32
    %cond3A_125 = arith.constant 0 : i32
    %cond3A_126 = arith.cmpi ne, %convert_element_type3A_124, %cond3A_125 : i32
    scf.if %cond3A_126 {
      %dma_start3A_146 = arith.constant 31248 : i32
      %dma_start3A_147 = tpu.memref_slice %arg8[%dma_start3A_146] : memref<31312xf32, #tpu.memory_space<vmem>> -> memref<64xf32, #tpu.memory_space<vmem>>
      %dma_start3A_148 = arith.constant 999936 : i32
      %dma_start3A_149 = tpu.memref_slice %arg6[%dma_start3A_148] : memref<1000000xf32, #tpu.memory_space<hbm>> -> memref<64xf32, #tpu.memory_space<hbm>>
      %dma_start3A_150 = arith.constant 999936 : i32
      %dma_start3A_151 = tpu.memref_slice %arg6[%dma_start3A_150] : memref<1000000xf32, #tpu.memory_space<hbm>> -> memref<64xf32, #tpu.memory_space<hbm>>
      %dma_start3A_152 = arith.constant 31248 : i32
      %dma_start3A_153 = tpu.memref_slice %arg8[%dma_start3A_152] : memref<31312xf32, #tpu.memory_space<vmem>> -> memref<64xf32, #tpu.memory_space<vmem>>
      tpu.enqueue_dma source(%dma_start3A_153 : memref<64xf32, #tpu.memory_space<vmem>>) target(%dma_start3A_151 : memref<64xf32, #tpu.memory_space<hbm>>) target_semaphore(%arg18 : memref<!tpu.dma_semaphore, #tpu.memory_space<semaphore_mem>>)
    } else {
    }
    "tpu.trace_stop"() : () -> ()
    "tpu.trace_start"() <{level = 10 : i32, message = "parts_out"}> : () -> ()
    %reduce_sum3A = arith.constant true
    %reduce_sum3A_127 = vector.broadcast %reduce_sum3A : i1 to vector<16xi1>
    %reduce_sum3A_128 = tpu.scan <sum>, %while3A_91 masked %reduce_sum3A_127 : vector<16xf32>, vector<16xi1> -> vector<16xf32>
    %reduce_sum3A_129 = vector.extract %reduce_sum3A_128[15] : f32 from vector<16xf32>
    %broadcast_in_dim3A_130 = vector.broadcast %reduce_sum3A_129 : f32 to vector<16xf32>
    %swap3A_131 = arith.constant 0 : index
    %swap3A_132 = tpu.vector_load %arg16[%swap3A_131] {strides = array<i32>} : memref<16xf32, #tpu.memory_space<vmem>>, vector<16xf32>,
    tpu.vector_store %arg16[%swap3A_131], %broadcast_in_dim3A_130 {strides = array<i32>} : memref<16xf32, #tpu.memory_space<vmem>>, vector<16xf32>,
    %mul3A_133 = arith.constant 16 : i32
    %mul3A_134 = arith.muli %add3A, %mul3A_133 : i32
    "tpu.region"() ({
      %run_scoped3A = tpu.sem_alloc : memref<!tpu.dma_semaphore, #tpu.memory_space<semaphore_mem>>
      %dma_start3A_146 = tpu.memref_slice %arg7[%mul3A_134] : memref<512xf32, #tpu.memory_space<hbm>> -> memref<16xf32, #tpu.memory_space<hbm>>
      %dma_start3A_147 = tpu.memref_slice %arg7[%mul3A_134] : memref<512xf32, #tpu.memory_space<hbm>> -> memref<16xf32, #tpu.memory_space<hbm>>
      tpu.enqueue_dma source(%arg16 : memref<16xf32, #tpu.memory_space<vmem>>) target(%dma_start3A_147 : memref<16xf32, #tpu.memory_space<hbm>>) target_semaphore(%run_scoped3A : memref<!tpu.dma_semaphore, #tpu.memory_space<semaphore_mem>>)
      %dma_wait3A_148 = tpu.memref_slice %arg7[%mul3A_134] : memref<512xf32, #tpu.memory_space<hbm>> -> memref<16xf32, #tpu.memory_space<hbm>>
      %dma_wait3A_149 = tpu.memref_slice %arg7[%mul3A_134] : memref<512xf32, #tpu.memory_space<hbm>> -> memref<16xf32, #tpu.memory_space<hbm>>
      tpu.wait_dma2 semaphore(%run_scoped3A : memref<!tpu.dma_semaphore, #tpu.memory_space<semaphore_mem>>) src(%arg16 : memref<16xf32, #tpu.memory_space<vmem>>) dst(%dma_wait3A_149 : memref<16xf32, #tpu.memory_space<hbm>>)
      tpu.yield
    }) : () -> ()
    "tpu.trace_stop"() : () -> ()
    "tpu.trace_start"() <{level = 10 : i32, message = "drain_out"}> : () -> ()
    %dma_wait3A_135 = arith.constant 0 : i32
    %dma_wait3A_136 = tpu.memref_slice %arg8[%dma_wait3A_135] : memref<31312xf32, #tpu.memory_space<vmem>> -> memref<31248xf32, #tpu.memory_space<vmem>>
    %dma_wait3A_137 = tpu.memref_slice %arg6[%mul3A_2] : memref<1000000xf32, #tpu.memory_space<hbm>> -> memref<31248xf32, #tpu.memory_space<hbm>>
    %dma_wait3A_138 = tpu.memref_slice %arg6[%mul3A_2] : memref<1000000xf32, #tpu.memory_space<hbm>> -> memref<31248xf32, #tpu.memory_space<hbm>>
    %dma_wait3A_139 = arith.constant 0 : i32
    %dma_wait3A_140 = tpu.memref_slice %arg8[%dma_wait3A_139] : memref<31312xf32, #tpu.memory_space<vmem>> -> memref<31248xf32, #tpu.memory_space<vmem>>
    tpu.wait_dma2 semaphore(%arg18 : memref<!tpu.dma_semaphore, #tpu.memory_space<semaphore_mem>>) src(%dma_wait3A_140 : memref<31248xf32, #tpu.memory_space<vmem>>) dst(%dma_wait3A_138 : memref<31248xf32, #tpu.memory_space<hbm>>)
    %eq3A_141 = arith.constant 31 : i32
    %eq3A_142 = arith.cmpi eq, %add3A, %eq3A_141 : i32
    %convert_element_type3A_143 = arith.extui %eq3A_142 : i1 to i32
    %cond3A_144 = arith.constant 0 : i32
    %cond3A_145 = arith.cmpi ne, %convert_element_type3A_143, %cond3A_144 : i32
    scf.if %cond3A_145 {
      %dma_wait3A_146 = arith.constant 31248 : i32
      %dma_wait3A_147 = tpu.memref_slice %arg8[%dma_wait3A_146] : memref<31312xf32, #tpu.memory_space<vmem>> -> memref<64xf32, #tpu.memory_space<vmem>>
      %dma_wait3A_148 = arith.constant 999936 : i32
      %dma_wait3A_149 = tpu.memref_slice %arg6[%dma_wait3A_148] : memref<1000000xf32, #tpu.memory_space<hbm>> -> memref<64xf32, #tpu.memory_space<hbm>>
      %dma_wait3A_150 = arith.constant 999936 : i32
      %dma_wait3A_151 = tpu.memref_slice %arg6[%dma_wait3A_150] : memref<1000000xf32, #tpu.memory_space<hbm>> -> memref<64xf32, #tpu.memory_space<hbm>>
      %dma_wait3A_152 = arith.constant 31248 : i32
      %dma_wait3A_153 = tpu.memref_slice %arg8[%dma_wait3A_152] : memref<31312xf32, #tpu.memory_space<vmem>> -> memref<64xf32, #tpu.memory_space<vmem>>
      tpu.wait_dma2 semaphore(%arg18 : memref<!tpu.dma_semaphore, #tpu.memory_space<semaphore_mem>>) src(%dma_wait3A_153 : memref<64xf32, #tpu.memory_space<vmem>>) dst(%dma_wait3A_151 : memref<64xf32, #tpu.memory_space<hbm>>)
    } else {
    }
    "tpu.trace_stop"() : () -> ()
    return
  }
}

module attributes {stable_mosaic.version = 14 : i64} {
  func.func @_dense_body(%arg0: memref<8192x128xf32, #tpu.memory_space<vmem>>, %arg1: memref<4096xf32, #tpu.memory_space<vmem>>, %arg2: memref<4096xf32, #tpu.memory_space<vmem>>, %arg3: memref<1x1xf32, #tpu.memory_space<vmem>>) attributes {dimension_semantics = [], scalar_prefetch = 0 : i64, scratch_operands = 0 : i64, tpu.core_type = #tpu.core_type<tc>} {
    %get3A = arith.constant 0 : index
    %get3A_0 = arith.constant 0 : index
    %get3A_1 = vector.load %arg0[%get3A, %get3A_0] : memref<8192x128xf32, #tpu.memory_space<vmem>>, vector<4096x128xf32>
    %get3A_2 = arith.constant 4096 : index
    %get3A_3 = arith.constant 0 : index
    %get3A_4 = vector.load %arg0[%get3A_2, %get3A_3] : memref<8192x128xf32, #tpu.memory_space<vmem>>, vector<4096x128xf32>
    %slice3A = vector.extract_strided_slice %get3A_1 {offsets = [1, 0], sizes = [4095, 128], strides = [1, 1]} : vector<4096x128xf32> to vector<4095x128xf32>
    %slice3A_5 = vector.extract_strided_slice %get3A_1 {offsets = [0, 0], sizes = [1, 128], strides = [1, 1]} : vector<4096x128xf32> to vector<1x128xf32>
    %concatenate3A = tpu.concatenate %slice3A, %slice3A_5 in 0 : vector<4095x128xf32>, vector<1x128xf32> -> vector<4096x128xf32>
    %slice3A_6 = vector.extract_strided_slice %get3A_4 {offsets = [1, 0], sizes = [4095, 128], strides = [1, 1]} : vector<4096x128xf32> to vector<4095x128xf32>
    %slice3A_7 = vector.extract_strided_slice %get3A_4 {offsets = [0, 0], sizes = [1, 128], strides = [1, 1]} : vector<4096x128xf32> to vector<1x128xf32>
    %concatenate3A_8 = tpu.concatenate %slice3A_6, %slice3A_7 in 0 : vector<4095x128xf32>, vector<1x128xf32> -> vector<4096x128xf32>
    %broadcast_in_dim3A = arith.constant 1.000000e+00 : f32
    %broadcast_in_dim3A_9 = vector.broadcast %broadcast_in_dim3A : f32 to vector<128x1xf32>
    %sub3A = arith.subf %get3A_1, %get3A_4 : vector<4096x128xf32>
    %mul3A = arith.mulf %sub3A, %sub3A : vector<4096x128xf32>
    %dot_general3A = arith.constant dense<0.000000e+00> : vector<1x4096xf32>
    %dot_general3A_10 = tpu.matmul %broadcast_in_dim3A_9, %mul3A, %dot_general3A {dimension_numbers = #tpu.dot_dimension_numbers<[0], [1], [1], [0], [0, 1, 1, 0], [], []>, transpose_lhs_hint = false} : vector<128x1xf32>, vector<4096x128xf32>, vector<1x4096xf32> -> vector<1x4096xf32>
    %dot_general3A_11 = arith.constant dense<0.000000e+00> : vector<1x4096xf32>
    %dot_general3A_12 = tpu.matmul %broadcast_in_dim3A_9, %sub3A, %dot_general3A_11 {dimension_numbers = #tpu.dot_dimension_numbers<[0], [1], [1], [0], [0, 1, 1, 0], [], []>, transpose_lhs_hint = false} : vector<128x1xf32>, vector<4096x128xf32>, vector<1x4096xf32> -> vector<1x4096xf32>
    %sub3A_13 = arith.subf %get3A_1, %concatenate3A_8 : vector<4096x128xf32>
    %mul3A_14 = arith.mulf %sub3A_13, %sub3A_13 : vector<4096x128xf32>
    %dot_general3A_15 = arith.constant dense<0.000000e+00> : vector<1x4096xf32>
    %dot_general3A_16 = tpu.matmul %broadcast_in_dim3A_9, %mul3A_14, %dot_general3A_15 {dimension_numbers = #tpu.dot_dimension_numbers<[0], [1], [1], [0], [0, 1, 1, 0], [], []>, transpose_lhs_hint = false} : vector<128x1xf32>, vector<4096x128xf32>, vector<1x4096xf32> -> vector<1x4096xf32>
    %dot_general3A_17 = arith.constant dense<0.000000e+00> : vector<1x4096xf32>
    %dot_general3A_18 = tpu.matmul %broadcast_in_dim3A_9, %sub3A_13, %dot_general3A_17 {dimension_numbers = #tpu.dot_dimension_numbers<[0], [1], [1], [0], [0, 1, 1, 0], [], []>, transpose_lhs_hint = false} : vector<128x1xf32>, vector<4096x128xf32>, vector<1x4096xf32> -> vector<1x4096xf32>
    %sub3A_19 = arith.subf %get3A_4, %concatenate3A : vector<4096x128xf32>
    %mul3A_20 = arith.mulf %sub3A_19, %sub3A_19 : vector<4096x128xf32>
    %dot_general3A_21 = arith.constant dense<0.000000e+00> : vector<1x4096xf32>
    %dot_general3A_22 = tpu.matmul %broadcast_in_dim3A_9, %mul3A_20, %dot_general3A_21 {dimension_numbers = #tpu.dot_dimension_numbers<[0], [1], [1], [0], [0, 1, 1, 0], [], []>, transpose_lhs_hint = false} : vector<128x1xf32>, vector<4096x128xf32>, vector<1x4096xf32> -> vector<1x4096xf32>
    %dot_general3A_23 = arith.constant dense<0.000000e+00> : vector<1x4096xf32>
    %dot_general3A_24 = tpu.matmul %broadcast_in_dim3A_9, %sub3A_19, %dot_general3A_23 {dimension_numbers = #tpu.dot_dimension_numbers<[0], [1], [1], [0], [0, 1, 1, 0], [], []>, transpose_lhs_hint = false} : vector<128x1xf32>, vector<4096x128xf32>, vector<1x4096xf32> -> vector<1x4096xf32>
    %mul3A_25 = arith.constant 2.000000e-06 : f32
    %mul3A_26 = vector.broadcast %mul3A_25 : f32 to vector<1x4096xf32>
    %mul3A_27 = arith.mulf %mul3A_26, %dot_general3A_12 : vector<1x4096xf32>
    %add3A = arith.addf %dot_general3A_10, %mul3A_27 : vector<1x4096xf32>
    %add3A_28 = arith.constant 1.280000e-10 : f32
    %add3A_29 = vector.broadcast %add3A_28 : f32 to vector<1x4096xf32>
    %add3A_30 = arith.addf %add3A, %add3A_29 : vector<1x4096xf32>
    %mul3A_31 = arith.constant 2.000000e-06 : f32
    %mul3A_32 = vector.broadcast %mul3A_31 : f32 to vector<1x4096xf32>
    %mul3A_33 = arith.mulf %mul3A_32, %dot_general3A_12 : vector<1x4096xf32>
    %sub3A_34 = arith.subf %dot_general3A_10, %mul3A_33 : vector<1x4096xf32>
    %add3A_35 = arith.constant 1.280000e-10 : f32
    %add3A_36 = vector.broadcast %add3A_35 : f32 to vector<1x4096xf32>
    %add3A_37 = arith.addf %sub3A_34, %add3A_36 : vector<1x4096xf32>
    %mul3A_38 = arith.constant 2.000000e-06 : f32
    %mul3A_39 = vector.broadcast %mul3A_38 : f32 to vector<1x4096xf32>
    %mul3A_40 = arith.mulf %mul3A_39, %dot_general3A_18 : vector<1x4096xf32>
    %add3A_41 = arith.addf %dot_general3A_16, %mul3A_40 : vector<1x4096xf32>
    %add3A_42 = arith.constant 1.280000e-10 : f32
    %add3A_43 = vector.broadcast %add3A_42 : f32 to vector<1x4096xf32>
    %add3A_44 = arith.addf %add3A_41, %add3A_43 : vector<1x4096xf32>
    %mul3A_45 = arith.constant 2.000000e-06 : f32
    %mul3A_46 = vector.broadcast %mul3A_45 : f32 to vector<1x4096xf32>
    %mul3A_47 = arith.mulf %mul3A_46, %dot_general3A_24 : vector<1x4096xf32>
    %add3A_48 = arith.addf %dot_general3A_22, %mul3A_47 : vector<1x4096xf32>
    %add3A_49 = arith.constant 1.280000e-10 : f32
    %add3A_50 = vector.broadcast %add3A_49 : f32 to vector<1x4096xf32>
    %add3A_51 = arith.addf %add3A_48, %add3A_50 : vector<1x4096xf32>
    %add3A_52 = arith.constant 1.000000e+00 : f32
    %add3A_53 = vector.broadcast %add3A_52 : f32 to vector<1x4096xf32>
    %add3A_54 = arith.addf %add3A_53, %add3A_30 : vector<1x4096xf32>
    %div3A = arith.constant 1.000000e+00 : f32
    %div3A_55 = vector.broadcast %div3A : f32 to vector<1x4096xf32>
    %div3A_56 = arith.divf %div3A_55, %add3A_54 : vector<1x4096xf32>
    %add3A_57 = arith.constant 1.000000e+00 : f32
    %add3A_58 = vector.broadcast %add3A_57 : f32 to vector<1x4096xf32>
    %add3A_59 = arith.addf %add3A_58, %add3A_37 : vector<1x4096xf32>
    %div3A_60 = arith.constant 1.000000e+00 : f32
    %div3A_61 = vector.broadcast %div3A_60 : f32 to vector<1x4096xf32>
    %div3A_62 = arith.divf %div3A_61, %add3A_59 : vector<1x4096xf32>
    %add3A_63 = arith.constant 1.000000e+00 : f32
    %add3A_64 = vector.broadcast %add3A_63 : f32 to vector<1x4096xf32>
    %add3A_65 = arith.addf %add3A_64, %add3A_44 : vector<1x4096xf32>
    %div3A_66 = arith.constant 1.000000e+00 : f32
    %div3A_67 = vector.broadcast %div3A_66 : f32 to vector<1x4096xf32>
    %div3A_68 = arith.divf %div3A_67, %add3A_65 : vector<1x4096xf32>
    %add3A_69 = arith.constant 1.000000e+00 : f32
    %add3A_70 = vector.broadcast %add3A_69 : f32 to vector<1x4096xf32>
    %add3A_71 = arith.addf %add3A_70, %add3A_51 : vector<1x4096xf32>
    %div3A_72 = arith.constant 1.000000e+00 : f32
    %div3A_73 = vector.broadcast %div3A_72 : f32 to vector<1x4096xf32>
    %div3A_74 = arith.divf %div3A_73, %add3A_71 : vector<1x4096xf32>
    %log3A = math.log %div3A_56 : vector<1x4096xf32>
    %neg3A = arith.constant 0.000000e+00 : f32
    %neg3A_75 = vector.broadcast %neg3A : f32 to vector<1x4096xf32>
    %neg3A_76 = arith.subf %neg3A_75, %log3A : vector<1x4096xf32>
    %reduce_sum3A = vector.shape_cast %neg3A_76 : vector<1x4096xf32> to vector<1x1x4096xf32>
    %reduce_sum3A_77 = arith.constant dense<0.000000e+00> : vector<1xf32>
    %reduce_sum3A_78 = vector.multi_reduction <add>, %reduce_sum3A, %reduce_sum3A_77 [1, 2] : vector<1x1x4096xf32> to vector<1xf32>
    %reduce_sum3A_79 = vector.shape_cast %reduce_sum3A_78 : vector<1xf32> to vector<1x1x1xf32>
    %reduce_sum3A_80 = vector.extract %reduce_sum3A_79[0, 0, 0] : f32 from vector<1x1x1xf32>
    %log3A_81 = math.log %div3A_62 : vector<1x4096xf32>
    %neg3A_82 = arith.constant 0.000000e+00 : f32
    %neg3A_83 = vector.broadcast %neg3A_82 : f32 to vector<1x4096xf32>
    %neg3A_84 = arith.subf %neg3A_83, %log3A_81 : vector<1x4096xf32>
    %reduce_sum3A_85 = vector.shape_cast %neg3A_84 : vector<1x4096xf32> to vector<1x1x4096xf32>
    %reduce_sum3A_86 = arith.constant dense<0.000000e+00> : vector<1xf32>
    %reduce_sum3A_87 = vector.multi_reduction <add>, %reduce_sum3A_85, %reduce_sum3A_86 [1, 2] : vector<1x1x4096xf32> to vector<1xf32>
    %reduce_sum3A_88 = vector.shape_cast %reduce_sum3A_87 : vector<1xf32> to vector<1x1x1xf32>
    %reduce_sum3A_89 = vector.extract %reduce_sum3A_88[0, 0, 0] : f32 from vector<1x1x1xf32>
    %add3A_90 = arith.addf %reduce_sum3A_80, %reduce_sum3A_89 : f32
    %div3A_91 = arith.constant 8.192000e+03 : f32
    %div3A_92 = arith.divf %add3A_90, %div3A_91 : f32
    %broadcast_in_dim3A_93 = vector.broadcast %div3A_92 : f32 to vector<1x1xf32>
    %swap3A = arith.constant 0 : index
    %swap3A_94 = arith.constant 0 : index
    %swap3A_95 = vector.load %arg3[%swap3A, %swap3A_94] : memref<1x1xf32, #tpu.memory_space<vmem>>, vector<1x1xf32>
    tpu.vector_store %arg3[%swap3A, %swap3A_94], %broadcast_in_dim3A_93 {strides = array<i32>} : memref<1x1xf32, #tpu.memory_space<vmem>>, vector<1x1xf32>,
    %integer_pow3A = arith.constant 1.000000e+06 : f32
    %integer_pow3A_96 = arith.mulf %integer_pow3A, %integer_pow3A : f32
    %mul3A_97 = arith.constant 0.00999999977 : f32
    %mul3A_98 = arith.mulf %mul3A_97, %integer_pow3A_96 : f32
    %mul3A_99 = arith.constant 5.000000e-01 : f32
    %mul3A_100 = vector.broadcast %mul3A_99 : f32 to vector<1x4096xf32>
    %mul3A_101 = arith.mulf %mul3A_100, %div3A_56 : vector<1x4096xf32>
    %mul3A_102 = arith.constant 5.000000e-01 : f32
    %mul3A_103 = vector.broadcast %mul3A_102 : f32 to vector<1x4096xf32>
    %mul3A_104 = arith.mulf %mul3A_103, %div3A_68 : vector<1x4096xf32>
    %add3A_105 = arith.addf %mul3A_101, %mul3A_104 : vector<1x4096xf32>
    %mul3A_106 = arith.constant 5.000000e-01 : f32
    %mul3A_107 = vector.broadcast %mul3A_106 : f32 to vector<1x4096xf32>
    %mul3A_108 = arith.mulf %mul3A_107, %div3A_62 : vector<1x4096xf32>
    %mul3A_109 = arith.constant 5.000000e-01 : f32
    %mul3A_110 = vector.broadcast %mul3A_109 : f32 to vector<1x4096xf32>
    %mul3A_111 = arith.mulf %mul3A_110, %div3A_74 : vector<1x4096xf32>
    %add3A_112 = arith.addf %mul3A_108, %mul3A_111 : vector<1x4096xf32>
    %mul3A_113 = vector.broadcast %mul3A_98 : f32 to vector<1x4096xf32>
    %mul3A_114 = arith.mulf %mul3A_113, %add3A_105 : vector<1x4096xf32>
    %mul3A_115 = vector.broadcast %mul3A_98 : f32 to vector<1x4096xf32>
    %mul3A_116 = arith.mulf %mul3A_115, %add3A_112 : vector<1x4096xf32>
    %add3A_117 = arith.addf %mul3A_114, %mul3A_116 : vector<1x4096xf32>
    %mul3A_118 = arith.constant 5.000000e-01 : f32
    %mul3A_119 = vector.broadcast %mul3A_118 : f32 to vector<1x4096xf32>
    %mul3A_120 = arith.mulf %add3A_117, %mul3A_119 : vector<1x4096xf32>
    %reshape3A = vector.shape_cast %mul3A_120 : vector<1x4096xf32> to vector<4096xf32>
    %swap3A_121 = arith.constant 0 : index
    %swap3A_122 = vector.load %arg1[%swap3A_121] : memref<4096xf32, #tpu.memory_space<vmem>>, vector<4096xf32>
    tpu.vector_store %arg1[%swap3A_121], %reshape3A {strides = array<i32>} : memref<4096xf32, #tpu.memory_space<vmem>>, vector<4096xf32>,
    %add3A_123 = arith.addf %div3A_68, %div3A_74 : vector<1x4096xf32>
    %reshape3A_124 = vector.shape_cast %add3A_123 : vector<1x4096xf32> to vector<4096xf32>
    %swap3A_125 = arith.constant 0 : index
    %swap3A_126 = vector.load %arg2[%swap3A_125] : memref<4096xf32, #tpu.memory_space<vmem>>, vector<4096xf32>
    tpu.vector_store %arg2[%swap3A_125], %reshape3A_124 {strides = array<i32>} : memref<4096xf32, #tpu.memory_space<vmem>>, vector<4096xf32>,
    return
  }
}

</mosaic_0001>

<sc_bundles>
// kernel: kernel.4.cloned.1.call-start
scs
__scs_entry_jumppad:
0x0: {  	(pc) =	sbr.rel $0x88, $3  }
0x1: {  	(tag) =	ssettag $0x0;
	lr =	simm.s32 $0x1  }
0x2: {  	[smem:$0x3F9E] =	sst lr;
	_ =	strace $0xD0000000  }
0x3: {  	_ = 	snop  }
0x4: {  	_ = 	snop  }
0x5: {  	_ = 	snop  }
0x6: {  	_ = 	snop  }
0x7: {  	_ = 	snop  }
__scs_overlays_trampoline_lowered:
0x8: {  	[smem:$0x3FAD] =	sst s0  }
0x9: {  	[smem:$0x3FAE] =	sst s1  }
0xa: {  	[smem:$0x3FAF] =	sst s2  }
0xb: {  	[smem:$0x3FB0] =	sst s3  }
0xc: {  	[smem:$0x3FB1] =	sst s4  }
0xd: {  	[smem:$0x3FB2] =	sst s5  }
0xe: {  	[smem:$0x3FB3] =	sst s6  }
0xf: {  	[smem:$0x3FB4] =	sst s7  }
0x10: {  	[smem:$0x3FB5] =	sst s8  }
0x11: {  	[smem:$0x3FB6] =	sst s9;
	s0 =	simm.s32 @!p0 $0x0  }
0x12: {  	s1 =	sld [smem:$0x3F9C];
	s0 =	simm.s32 @p0 $0x1  }
0x13: {  	[smem:$0x3FB7] =	sst s0;
	s0 =	simm.s32 @!p1 $0x0  }
0x14: {  	s2 =	sld [smem:$0x3F9B];
	s0 =	simm.s32 @p1 $0x1  }
0x15: {  	[smem:$0x3FB8] =	sst s0;
	s0 =	simm.s32 @!p2 $0x0  }
0x16: {  	s3 =	sld [smem:$0x3FDB];
	s0 =	simm.s32 @p2 $0x1  }
0x17: {  	s4 =	simm.s32 $0x1BF5;
	[smem:$0x3FBA] =	sst s0  }
0x18: {  	s0 =	sld [smem:$0x3F9D];
	_ =	swait.ge [sflag:s4], $0x0  }
0x19: {  	s7 =	sld [smem:$0x3F9E]  }
0x1a: {  	s8 =	sadd.s32 $0xFFFFE003, lr  }
0x1b: {  	s9 =	sadd.s32 $0xFFFFFEF7, lr;
	s5 =	simm.s32 $0xFFFFFFFF;
	p2 =	slt.u32 s8, $0xFFFFF086  }
0x1c: {  	p1 =	slt.u32 s9, $0xF7A;
	s5 =	simm.s32 @!p2 $0x0  }
0x1d: {  	s5 =	simm.s32 @p1 $0x1;
	p0 =	seq.s32 s7, s2  }
0x1e: {  	s7 =	smul.u32 @!p0 $0xF7A, s2;
	p2 =	seq.s32 @!p0 s5, $0x0  }
0x1f: {  	s9 =	smul.u32 $0xF7A, s1;
	s8 =	simm.s32 @!p0 $0x1BF5;
	p2 =	por !p2, p0  }
0x20: {  	[sflag:s8] =	ssyncset.s32 @!p0 $0xFFFFF086;
	s6 =	sadd.s32 @!p0 s3, s7;
	s7 =	simm.s32 @!p0 $0x108  }
0x21: {  	s3 =	sadd.s32 s3, s9;
	s6 =	sadd.s32 @!p0 $0x88, s6;
	s7 =	simm.s32 @p2 $0x1082  }
0x22: {  	[simem:s7], [sflag:s8] =	dma.local @!p0 [hbm:s6], $0xF7A  }
0x23: {  	s9 =	sor.u32 $0xD0000000, s2;
	s6 =	simm.s32 $0x108;
	_ =	swait.ge @!p0 [sflag:s8], $0x0  }
0x24: {  	s3 =	sadd.s32 $0x88, s3;
	s6 =	simm.s32 @!p1 $0x1082;
	[sflag:s4] =	ssyncset.s32 $0xFFFFF086  }
0x25: {  	[simem:s6], [sflag:s4] =	dma.local [hbm:s3], $0xF7A  }
0x26: {  	[smem:$0x3F9E] =	sst s1;
	(tag) =	ssettag s2;
	_ =	strace s9  }
0x27: {  	s1 =	sld [smem:$0x3FAE]  }
0x28: {  	s2 =	sld [smem:$0x3FAF]  }
0x29: {  	s4 =	sld [smem:$0x3FB1]  }
0x2a: {  	p0 =	seq.s32 s5, $0x0;
	s5 =	sld [smem:$0x3FB2]  }
0x2b: {  	s6 =	sld [smem:$0x3FB3]  }
0x2c: {  	s7 =	sld [smem:$0x3FB4]  }
0x2d: {  	s3 =	simm.s32 $0x108;
	s8 =	sld [smem:$0x3FB5]  }
0x2e: {  	s3 =	simm.s32 @!p0 $0x1082;
	s9 =	sld [smem:$0x3FB6]  }
0x2f: {  	lr =	sadd.s32 s0, s3;
	s0 =	sld [smem:$0x3FAD]  }
0x30: {  	s3 =	sld [smem:$0x3FB0]  }
0x31: {  	[smem:$0x3FB9] =	sst s10  }
0x32: {  	s10 =	sld [smem:$0x3FB7];
	_ =	sdelay $0x3  }
0x33: {  	p0 =	seq.s32 s10, $0x1;
	s10 =	sld [smem:$0x3FB9];
	_ =	sdelay $0x3  }
0x34: {  	[smem:$0x3FB9] =	sst s10  }
0x35: {  	s10 =	sld [smem:$0x3FB8];
	_ =	sdelay $0x3  }
0x36: {  	p1 =	seq.s32 s10, $0x1;
	s10 =	sld [smem:$0x3FB9];
	_ =	sdelay $0x3  }
0x37: {  	[smem:$0x3FB9] =	sst s10  }
0x38: {  	s10 =	sld [smem:$0x3FBA]  }
0x39: {  	_ = 	snop;
	(pc) =	sbr.ind lr, $3  }
0x3a: {  	_ = 	snop  }
0x3b: {  	_ = 	snop  }
0x3c: {  	p2 =	seq.s32 s10, $0x1;
	s10 =	sld [smem:$0x3FB9]  }
0x3d: {  	_ =	shalt  }
0x3e: {  	_ =	shalt  }
0x3f: {  	_ =	shalt  }
0x40: {  	_ =	shalt  }
0x41: {  	_ =	shalt  }
0x42: {  	_ =	shalt  }
0x43: {  	_ =	shalt  }
0x44: {  	_ =	shalt  }
0x45: {  	_ =	shalt  }
0x46: {  	_ =	shalt  }
0x47: {  	_ =	shalt  }
0x48: {  	_ =	shalt  }
0x49: {  	_ =	shalt  }
0x4a: {  	_ =	shalt  }
0x4b: {  	_ =	shalt  }
0x4c: {  	_ =	shalt  }
0x4d: {  	_ =	shalt  }
0x4e: {  	_ =	shalt  }
0x4f: {  	_ =	shalt  }
0x50: {  	_ =	shalt  }
0x51: {  	_ =	shalt  }
0x52: {  	_ =	shalt  }
0x53: {  	_ =	shalt  }
0x54: {  	_ =	shalt  }
0x55: {  	_ =	shalt  }
0x56: {  	_ =	shalt  }
0x57: {  	_ =	shalt  }
0x58: {  	_ =	shalt  }
0x59: {  	_ =	shalt  }
0x5a: {  	_ =	shalt  }
0x5b: {  	_ =	shalt  }
0x5c: {  	_ =	shalt  }
0x5d: {  	_ =	shalt  }
0x5e: {  	_ =	shalt  }
0x5f: {  	_ =	shalt  }
0x60: {  	_ =	shalt  }
0x61: {  	_ =	shalt  }
0x62: {  	_ =	shalt  }
0x63: {  	_ =	shalt  }
0x64: {  	_ =	shalt  }
0x65: {  	_ =	shalt  }
0x66: {  	_ =	shalt  }
0x67: {  	_ =	shalt  }
0x68: {  	_ =	shalt  }
0x69: {  	_ =	shalt  }
0x6a: {  	_ =	shalt  }
0x6b: {  	_ =	shalt  }
0x6c: {  	_ =	shalt  }
0x6d: {  	_ =	shalt  }
0x6e: {  	_ =	shalt  }
0x6f: {  	_ =	shalt  }
0x70: {  	_ =	shalt  }
0x71: {  	_ =	shalt  }
0x72: {  	_ =	shalt  }
0x73: {  	_ =	shalt  }
0x74: {  	_ =	shalt  }
0x75: {  	_ =	shalt  }
0x76: {  	_ =	shalt  }
0x77: {  	_ =	shalt  }
0x78: {  	_ =	shalt  }
0x79: {  	_ =	shalt  }
0x7a: {  	_ =	shalt  }
0x7b: {  	_ =	shalt  }
0x7c: {  	_ =	shalt  }
0x7d: {  	_ =	shalt  }
0x7e: {  	_ =	shalt  }
0x7f: {  	_ =	shalt  }
0x80: {  	_ =	shalt  }
0x81: {  	_ =	shalt  }
0x82: {  	_ =	shalt  }
0x83: {  	_ =	shalt  }
0x84: {  	_ =	shalt  }
0x85: {  	_ =	shalt  }
0x86: {  	_ =	shalt  }
0x87: {  	_ =	shalt  }
.Lfunc_end0:
.L_simem_size_0:
called_computation_lowered:
.L_overlay_start_0:
0x88: {  	s2 =	sld [smem:$0x3FD9]  }
0x89: {  	s3 =	sld [smem:$0x3FFE];
	_ =	sdelay $0x1  }
0x8a: {  	s1 =	srdreg.scid  }
0x8b: {  	s0 =	sand.u32 $0x1, s1  }
0x8c: {  	s14 =	sshll.u32 s0, $0xA;
	s2 =	sadd.s32 s3, s2  }
0x8d: {  	s2 =	sadd.s32 s2, s14  }
0x8e: {  	[smem:$0x3FC5] =	sst s2  }
0x8f: {  	_ = 	snop  }
0x90: {  	s2 =	sld [smem:$0x3FD0];
	_ =	sdelay $0x1  }
0x91: {  	s15 =	sld [smem:$0x3FC8]  }
0x92: {  	s5 =	simm.s32 $0xA;
	s6 =	simm.s32 $0x10;
	s4 =	sld [smem:$0x3FC7]  }
0x93: {  	[smem:s6], [sflag:s5] =	dma.local [hbm:s2], $0x1  }
0x94: {  	_ =	swait.eq [sflag:s5], $0x1  }
0x95: {  	[sflag:s5] =	ssyncset.done $0x0  }
0x96: {  	[sflag:s5] =	ssyncadd.s32 $0xFFFFFFFF  }
0x97: {  	s16 =	sld [smem:$0x11];
	(tm) =	ssettm $0x1  }
0x98: {  	s17 =	sld [smem:$0x3FFB];
	_ =	sdelay $0x3  }
0x99: {  	_ =	strace s17  }
0x9a: {  	s5 =	sld [smem:$0x3FFC];
	_ =	sdelay $0x3  }
0x9b: {  	_ =	strace s5  }
0x9c: {  	s5 =	sld [smem:$0x3FFD];
	_ =	sdelay $0x3  }
0x9d: {  	_ =	strace s5  }
0x9e: {  	_ =	strace $0x8FFFFFFF  }
0x9f: {  	s18 =	sld [smem:$0x3FDB];
	_ =	sdelay $0x1  }
0xa0: {  	s19 =	simm.s32 $_scs_section_size  }
0xa1: {  	s7 =	simm.s32 $_size__tile_overlayer_lowered;
	s8 =	simm.s32 $_tile_overlayer_lowered  }
0xa2: {  	s22 =	simm.s32 $0x1BFF;
	s21 =	sshll.u32 s8, $0x1;
	s5 =	sadd.s32 s19, s18  }
0xa3: {  	s9 =	simm.s32 $0x0;
	s20 =	sshll.u32 s7, $0x1;
	s7 =	sadd.s32 s21, s5  }
0xa4: {  	[timem:s9], [sflag:s22] =	dma.local [hbm:s7], s20  }
0xa5: {  	_ =	swait.ge [sflag:s22], s20  }
0xa6: {  	s6 =	ssub.s32 $0x0, s20;
	[sflag:s22] =	ssyncset.done $0x0  }
0xa7: {  	[sflag:s22] =	ssyncadd.s32 s6;
	_ =	sdelay $0x1  }
0xa8: {  	s23 =	simm.s32 $0x1B8B  }
0xa9: {  	_ =	swait.ge [sflag:s23], $0x1  }
0xaa: {  	[sflag:s23] =	ssyncset.done $0x0  }
0xab: {  	s25 =	simm.s32 $0x1B8E;
	s24 =	sld [smem:$0x3FFE];
	[sflag:s23] =	ssyncadd.s32 $0xFFFFFFFF  }
0xac: {  	s26 =	simm.s32 $execute0_lowered;
	[smem:$0x3FD2] =	sst s25  }
0xad: {  	s7 =	sshll.u32 s26, $0x1;
	_ =	strace $0x80000046;
	[dreg:$0x1] =	wrdreg $0xFFFFFFFF  }
0xae: {  	s28 =	simm.s32 $_size_execute0_lowered;
	s5 =	sadd.s32 s5, s7;
	[dreg:$0x0] =	wrdreg $0x0  }
0xaf: {  	s7 =	sshll.u32 s28, $0x1;
	[dreg:$0x2] =	wrdreg s5  }
0xb0: {  	[dreg:$0x3] =	wrdreg s7  }
0xb1: {  	[dreg:$0x4] =	wrdreg $0xC0  }
0xb2: {  	_ =	task [dreg:s9], $0x5FFFF  }
0xb3: {  	[dreg:$0x1] =	wrdreg $0xFFFFFFFF  }
0xb4: {  	[dreg:$0x0] =	wrdreg $0x60  }
0xb5: {  	[dreg:$0x2] =	wrdreg s4  }
0xb6: {  	[dreg:$0x3] =	wrdreg s15  }
0xb7: {  	[dreg:$0x4] =	wrdreg s24  }
0xb8: {  	[dreg:$0x5] =	wrdreg s16  }
0xb9: {  	[dreg:$0x6] =	wrdreg $0x9  }
0xba: {  	_ =	task.clear_ibuf [dreg:s9], $0x7FFFF;
	_ =	strace $0x90000046  }
0xbb: {  	s29 =	simm.s32 $0x9;
	_ =	strace $0x80000053  }
0xbc: {  	_ =	swait.ge [sflag:s29], $0x1  }
0xbd: {  	[sflag:s29] =	ssyncadd.s32 $0xFFFFFFFF  }
0xbe: {  	_ =	strace $0x90000053  }
0xbf: {  	_ =	sfence  }
0xc0: {  	s30 =	sld [smem:$0x0];
	_ =	sdelay $0x2  }
0xc1: {  	s31 =	sshll.u32 s1, $0xD;
	s1 =	sshrl.u32 s1, $0x2  }
0xc2: {  	s3 =	sand.u32 $0x4000, s31;
	s1 =	sadd.s32 s1, s30  }
0xc3: {  	s0 =	sor.u32 s3, s0;
	s1 =	sshll.u32 s1, $0x11  }
0xc4: {  	s0 =	sor.u32 s1, s0  }
0xc5: {  	s0 =	sadd.s32 $0x8F2B, s0  }
0xc6: {  	[sflag:s0] =	ssyncadd.remote.s32 $0x1  }
0xc7: {  	_ =	sfence.sel $0xFFFF  }
0xc8: {  	[dreg:$0x0] =	wrdreg $0xFFFFFFFF;
	(pc) =	sbr.abs _section_cstart, $3  }
0xc9: {  	[dreg:$0x1] =	wrdreg $0xFFFFFFFF  }
0xca: {  	_ =	task.clear_ibuf [dreg:s9], $0x2FFFF;
	_ =	strace $0x9FFFFFFF  }
0xcb: {  	(tm) =	ssettm $0x7FFFFFFF  }
tec
execute0_lowered:
.L_overlay_start_1:
0x0: {  	(tag) =	ssettag $0x1  }
0x1: {  	s0 =	rddreg [dreg:$0x0]  }
0x2: {  	s1 =	rddreg [dreg:$0x1]  }
0x3: {  	s6 =	rddreg [dreg:$0x2]  }
0x4: {  	s9 =	rddreg [dreg:$0x3];
	s3 =	simm.s32 $0x0;
	s4 =	srdreg.scid  }
0x5: {  	s2 =	stileid.u32;
	s15 =	simm.s32 $0x7A50;
	s16 =	simm.s32 $0x15780  }
0x6: {  	s17 =	simm.s32 $0x4;
	s18 =	simm.s32 $0x0;
	[smem:$0x7FF] =	sst s3  }
0x7: {  	s5 =	sand.u32 $0x1, s4;
	s7 =	sshll.u32 s2, $0x1;
	s4 =	sadd.s32 $0xC00, s6  }
0x8: {  	_ =	strace $0x80000047;
	s12 =	sor.u32 s5, s7;
	s30 =	ssub.s32 $0x2, s5  }
0x9: {  	s5 =	sadd.s32 $0xE00, s6;
	s7 =	sadd.s32 $0x1E840, s0;
	s8 =	sshll.u32 s12, $0x1  }
0xa: {  	s10 =	sshrl.u32 s30, $0x1;
	s13 =	smul.u32 $0x7A10, s12;
	p0 =	seq.s32 s12, $0x1F  }
.Ltmp0:
0xb: {  	s11 =	sadd.s32 s8, s6;
	s14 =	ssub.s32 s30, s10;
	(pc) =	sbr.rel .LBB2_1-.Ltmp0, $4  }
0xc: {  	s15 =	simm.s32 @!p0 $0x7A10;
	p0 =	sne.s32 s12, $0x1F;
	s12 =	simm.s32 $0x1  }
0xd: {  	s31 =	sshrl.u32 s13, $0x3;
	s10 =	sadd.s32 $0x1000, s11;
	s11 =	smax.u32 s14, $0x1  }
0xe: {  	v0 =	vmov s13;
	v1 =	vmov s15;
	s13 =	simm.s32 $0x3;
	s14 =	simm.s32 $0x2;
	s15 =	simm.s32 $0x7A80  }
0xf: {  	v2 =	vlaneseq.u32;
	v3 =	vimm.s32 $0x0;
	vm0 =	vmmov $0xffff;
	s6 =	sadd.s32 s0, s31;
	s8 =	sadd.s32 s9, s31;
	s9 =	sadd.s32 $0x1E840, s9  }
.LBB2_24:
0x10: {  	_ =	strace $0x9000004D  }
0x11: {  	_ =	strace $0x8000004E  }
0x12: {  	_ =	strace $0x9000004E  }
0x13: {  	v5 =	vimm.f32 $0.0e+00;
	_ =	strace $0x8000004F  }
.LBB2_22:
0x14: {  	_ =	strace $0x9000004F  }
0x15: {  	_ =	strace $0x80000050  }
0x16: {  	[hbm4b:s8+s3] =	stream.linear.scatter [tilespmem:s3], [sflag:$0x2], $0x7A10, $0x200038;
	[tilespmem:$0x15800] =	vst v63  }
0x17: {  	s0 =	simm.s32 @!p0 $0x0;
	s19 =	simm.s32 @!p0 $0x7A10  }
0x18: {  	[hbm4b:s9+s0] =	stream.linear.scatter @!p0 [tilespmem:s19], [sflag:$0x2], $0x40, $0x200038;
	[tilespmem:$0x15800] =	vst v63  }
0x19: {  	_ =	strace $0x90000050  }
0x1a: {  	_ =	strace $0x80000051  }
0x1b: {  	(xrf2) =	vadd.scan.msk.f32 $0xffff, v5;
	_ =	sdelay $0x9  }
0x1c: {  	v4, _, _ =	vpop (xrf2)  }
0x1d: {  	v4 =	vbroadcast v4, $0xF;
	_ =	sdelay $0x1  }
0x1e: {  	[tilespmem:$0x15780] =	vst v4  }
0x1f: {  	[hbm4b:s10+s3] =	stream.linear.scatter [tilespmem:s16], [sflag:$0x4], $0x10, $0x200038;
	[tilespmem:$0x15800] =	vst v63  }
0x20: {  	_ =	swait.ge [sflag:s17], $0x10  }
0x21: {  	[sflag:s17] =	ssyncset.done $0x0  }
0x22: {  	[sflag:s17] =	ssyncadd.s32 $0xFFFFFFF0  }
0x23: {  	_ =	strace $0x90000051  }
0x24: {  	_ =	strace $0x80000052  }
0x25: {  	s18 =	sadd.s32 $0x1, s18;
	_ =	swait.ge [sflag:s14], $0x7A10  }
0x26: {  	p1 =	sne.s32 s18, s11;
	[sflag:s14] =	ssyncset.done $0x0  }
.Ltmp1:
0x27: {  	s0 =	simm.s32 @!p0 $0x2;
	[sflag:s14] =	ssyncadd.s32 $0xFFFF85F0;
	(pc) =	sbr.rel @!p1 .LBB2_23-.Ltmp1, $4  }
0x28: {  	_ =	swait.ge @!p0 [sflag:s0], $0x40  }
0x29: {  	[sflag:s0] =	ssyncset.done @!p0 $0x0  }
0x2a: {  	[sflag:s0] =	ssyncadd.s32 @!p0 $0xFFFFFFC0  }
0x2b: {  	_ =	strace $0x90000052  }
.LBB2_1:
0x2c: {  	_ =	strace $0x80000048  }
0x2d: {  	[tilespmem:s3], [sflag:$0x2] =	stream.linear.gather [hbm4b:s6+s3], $0x7A10, $0x200038;
	[tilespmem:$0x15800] =	vst v63  }
0x2e: {  	s0 =	simm.s32 @!p0 $0x0;
	s19 =	simm.s32 @!p0 $0x7A10  }
0x2f: {  	[tilespmem:s19], [sflag:$0x2] =	stream.linear.gather @!p0 [hbm4b:s7+s0], $0x40, $0x200038;
	[tilespmem:$0x15800] =	vst v63  }
0x30: {  	_ =	strace $0x90000048  }
0x31: {  	s31 =	simm.s32 $0xF500;
	_ =	strace $0x80000049  }
0x32: {  	[tilespmem:s31], [sflag:$0x1] =	stream.linear.gather [hbm4b:s1+s3], $0x1000, $0x200038;
	[tilespmem:$0x15800] =	vst v63  }
0x33: {  	_ =	swait.ge [sflag:s12], $0x1000  }
0x34: {  	[sflag:s12] =	ssyncset.done $0x0  }
0x35: {  	[sflag:s12] =	ssyncadd.s32 $0xFFFFF000  }
0x36: {  	_ =	strace $0x90000049  }
0x37: {  	_ =	strace $0x8000004A  }
0x38: {  	v4 =	vld [tilespmem:s31+$0x0];
	_ =	sdelay $0x4  }
0x39: {  	v5 =	vsub.s32 v4, v0  }
0x3a: {  	vm1 =	vgt.s32 v5, $0xFFFFFFFF;
	vm2 =	vlt.s32 v5, v1  }
0x3b: {  	vm1 =	vmand vm1, vm2  }
0x3c: {  	v5 =	vsel vm1, $0x1, v3  }
0x3d: {  	(xrf0) =	vadd.scan.msk.s32 $0xffff, v5;
	_ =	sdelay $0x5  }
0x3e: {  	v5, _, _ =	vpop (xrf0)  }
0x3f: {  	[tilespmem:s3+$0x10500] =	vst.msk vm1, v4;
	v4 =	vor.u32 s3, v2;
	(v2sf) =	vpush v5, $0xF  }
0x40: {  	s20 =	simm.s32 $0xF510;
	[tilespmem:s3+$0x11580] =	vst.msk vm1, v4  }
0x41: {  	s21 =	simm.s32 $0x20;
	s19 =	simm.s32 $0x10;
	s0 =	simm.s32 $0x0;
	v4 =	vld [tilespmem:s20+$0x0]  }
.LBB2_2:
0x42: {  	p1 =	sne.s32 s21, $0xFF0;
	_ =	sdelay $0x3  }
0x43: {  	v5 =	vsub.s32 v4, v0  }
0x44: {  	vm1 =	vgt.s32 v5, $0xFFFFFFFF;
	vm2 =	vlt.s32 v5, v1  }
0x45: {  	vm1 =	vmand vm1, vm2  }
0x46: {  	v5 =	vsel vm1, $0x1, v3  }
0x47: {  	(xrf0) =	vadd.scan.msk.s32 $0xffff, v5;
	_ =	sdelay $0x3  }
0x48: {  	s22 =	spop (v2sf)  }
.Ltmp2:
0x49: {  	s0 =	sadd.s32 s0, s22;
	(pc) =	sbr.rel @p1 .LBB2_2-.Ltmp2, $4  }
0x4a: {  	[tilespmem:s0+$0x10500] =	vst.msk vm1, v4;
	v4 =	vor.u32 s19, v2;
	v5, _, _ =	vpop (xrf0);
	s19 =	smov.u32 s21  }
0x4b: {  	[tilespmem:s0+$0x11580] =	vst.msk vm1, v4;
	(v2sf) =	vpush v5, $0xF  }
0x4c: {  	s20 =	sadd.s32 $0x10, s20  }
0x4d: {  	s21 =	sadd.s32 $0x10, s21;
	v4 =	vld [tilespmem:s20+$0x0]  }
0x4e: {  	_ =	sdelay $0x3  }
0x4f: {  	v5 =	vsub.s32 v4, v0  }
0x50: {  	vm1 =	vgt.s32 v5, $0xFFFFFFFF;
	vm2 =	vlt.s32 v5, v1  }
0x51: {  	vm1 =	vmand vm1, vm2  }
0x52: {  	v5 =	vsel vm1, $0x1, v3  }
0x53: {  	(xrf0) =	vadd.scan.msk.s32 $0xffff, v5;
	_ =	sdelay $0x5  }
0x54: {  	v5, _, _ =	vpop (xrf0)  }
0x55: {  	(v2sf) =	vpush v5, $0xF;
	_ =	sdelay $0xd  }
0x56: {  	s20 =	spop (v2sf)  }
0x57: {  	s0 =	sadd.s32 s0, s20;
	s28 =	spop (v2sf)  }
0x58: {  	s20 =	sadd.s32 s0, s28  }
0x59: {  	s21 =	sadd.s32 $0xF, s20  }
0x5a: {  	s22 =	sand.u32 $0xF, s21  }
0x5b: {  	s29 =	sshra.s32 s21, $0x1F;
	p2 =	slt.s32 s21, $0x1;
	p1 =	sne.s32 s22, $0x0  }
0x5c: {  	s30 =	sshrl.u32 s29, $0x1C;
	p1 =	por !p2, !p1  }
0x5d: {  	[tilespmem:s0+$0x10500] =	vst.msk vm1, v4;
	v5 =	vor.u32 s19, v2;
	s19 =	simm.s32 $0x1;
	s31 =	sadd.s32 s30, s21;
	p1 =	por !p1, !p1  }
0x5e: {  	[tilespmem:s0+$0x11580] =	vst.msk vm1, v5;
	s0 =	sshra.s32 s31, $0x4;
	s19 =	simm.s32 @!p1 $0x0  }
0x5f: {  	s19 =	ssub.s32 s0, s19  }
0x60: {  	p1 =	slt.s32 s19, $0x1  }
.Ltmp3:
0x61: {  	_ = 	snop;
	(pc) =	sbr.rel @p1 .LBB2_9-.Ltmp3, $4  }
0x62: {  	[tilespmem:s20+$0x10500] =	vst v0  }
0x63: {  	[tilespmem:s20+$0x11580] =	vst v3  }
0x64: {  	_ =	strace $0x9000004A  }
0x65: {  	_ =	strace $0x8000004B  }
0x66: {  	s0 =	simm.s32 $0x11580  }
0x67: {  	s21 =	simm.s32 $0x12600;
	s22 =	simm.s32 $0x13680;
	s23 =	smov.u32 s19  }
.LBB2_5:
0x68: {  	v4 =	vld [tilespmem:s0+$0x0];
	_ =	sdelay $0x7  }
0x69: {  	[tilespmem:s21], [sflag:$0x3] =	stream.indirect_vreg.gather [hbm4b:s4+s3], $0x1, v4, vm0, $0x2000b8;
	[tilespmem:$0x15800] =	vst v63  }
0x6a: {  	v4 =	vld [tilespmem:s0+$0x0];
	_ =	sdelay $0x3  }
0x6b: {  	p2 =	sne.s32 s23, $0x1  }
.Ltmp4:
0x6c: {  	_ = 	snop;
	(pc) =	sbr.rel @p2 .LBB2_5-.Ltmp4, $4  }
0x6d: {  	_ = 	snop  }
0x6e: {  	s23 =	sadd.s32 $0xFFFFFFFF, s23  }
0x6f: {  	[tilespmem:s22], [sflag:$0x3] =	stream.indirect_vreg.gather [hbm4b:s5+s3], $0x1, v4, vm0, $0x2000b8;
	[tilespmem:$0x15800] =	vst v63  }
0x70: {  	s21 =	sadd.s32 $0x10, s21;
	s0 =	sadd.s32 $0x10, s0;
	s22 =	sadd.s32 $0x10, s22  }
0x71: {  	s0 =	sshll.u32 s19, $0x1  }
0x72: {  	p2 =	sne.s32 s0, $0x1  }
.Ltmp5:
0x73: {  	_ = 	snop;
	(pc) =	sbr.rel @!p2 .LBB2_8-.Ltmp5, $3  }
0x74: {  	_ =	sdelay $0x1  }
0x75: {  	_ =	swait.ge [sflag:s13], $0x10  }
0x76: {  	s0 =	sadd.s32 $0xFFFFFFFF, s0;
	[sflag:s13] =	ssyncset.done $0x0  }
.LBB2_7:
0x77: {  	p2 =	sne.s32 s0, $0x1;
	s0 =	sadd.s32 $0xFFFFFFFF, s0;
	[sflag:s13] =	ssyncadd.s32 $0xFFFFFFF0  }
.Ltmp6:
0x78: {  	(pc) =	sbr.rel @p2 .LBB2_7-.Ltmp6, $3  }
0x79: {  	_ =	sdelay $0x1  }
0x7a: {  	_ =	swait.ge [sflag:s13], $0x10  }
0x7b: {  	[sflag:s13] =	ssyncset.done $0x0  }
.LBB2_8:
0x7c: {  	[sflag:s13] =	ssyncadd.s32 $0xFFFFFFF0  }
.LBB2_9:
0x7d: {  	_ =	strace $0x9000004B  }
0x7e: {  	_ =	strace $0x8000004C  }
0x7f: {  	_ =	swait.ge [sflag:s14], $0x7A10  }
0x80: {  	[sflag:s14] =	ssyncset.done $0x0  }
0x81: {  	s0 =	simm.s32 @!p0 $0x2;
	[sflag:s14] =	ssyncadd.s32 $0xFFFF85F0  }
.Ltmp7:
0x82: {  	_ =	swait.ge @!p0 [sflag:s0], $0x40;
	(pc) =	sbr.rel @p1 .LBB2_24-.Ltmp7, $4  }
0x83: {  	[sflag:s0] =	ssyncset.done @!p0 $0x0  }
0x84: {  	[sflag:s0] =	ssyncadd.s32 @!p0 $0xFFFFFFC0  }
0x85: {  	_ =	strace $0x9000004C  }
0x86: {  	_ =	strace $0x8000004D  }
0x87: {  	p2 =	sne.s32 s19, $0x1  }
.Ltmp8:
0x88: {  	_ = 	snop;
	(pc) =	sbr.rel @!p2 .LBB2_11-.Ltmp8, $4  }
0x89: {  	_ = 	snop  }
0x8a: {  	s22 =	simm.s32 $0x10500  }
0x8b: {  	s25 =	simm.s32 $0x12600;
	s24 =	simm.s32 $0x14700;
	s23 =	simm.s32 $0x13680  }
0x8c: {  	v4 =	vmov s20;
	v5 =	vimm.f32 $0.0e+00;
	s20 =	simm.s32 $0x0;
	s21 =	sadd.s32 $0xFFFFFFFF, s19;
	p1 =	por $0x0, $0x0;
	v7 =	vld [tilespmem:s22+$0x0]  }
0x8d: {  	_ =	sdelay $0x1  }
0x8e: {  	v6 =	vor.u32 s20, v2  }
0x8f: {  	vm1 =	vlt.s32 v6, v4  }
0x90: {  	v6 =	vsub.s32 v7, v0;
	_ =	sdelay $0x4  }
0x91: {  	v6 =	vld.idx.msk [tilespmem:v6+s3+$0x0], vm1;
	_ =	sdelay $0x1  }
0x92: {  	v7 =	vld [tilespmem:s25+$0x0];
	_ =	sdelay $0x2  }
0x93: {  	p3 =	sne.s32 s21, $0x1;
	v8 =	vmul.f32 $9.900000090e-01, v6;
	(erf) = vrcp.f32 v6  }
.Ltmp9:
0x94: {  	_ = 	snop;
	(pc) =	sbr.rel @!p3 .LBB2_13-.Ltmp9, $4  }
0x95: {  	v7 =	vadd.f32 v7, v8  }
0x96: {  	s31 =	simm.s32 $0x10510  }
0x97: {  	s0 =	sadd.s32 $0xFFFFFFFF, s21;
	p2 =	por $0x1, $0x1;
	s26 =	simm.s32 $0x13680;
	[tilespmem:s24+$0x0] =	vst v7  }
0x98: {  	s29 =	simm.s32 $0x0;
	s30 =	simm.s32 $0x12600;
	s28 =	simm.s32 $0x14700;
	vm1 =	vmmov vm1;
	v6 =	vimm.f32 $0.0e+00;
	v7 =	vld [tilespmem:s31+$0x0]  }
.LBB2_14:
0x99: {  	p3 =	sne.s32 s0, $0x1;
	v8 =	vld [tilespmem:s26+$0x0]  }
0x9a: {  	s29 =	sadd.s32 $0x10, s29  }
0x9b: {  	v10 =	vor.u32 s29, v2  }
0x9c: {  	vm2 =	vlt.s32 v10, v4;
	v9 =	vpop (erf)  }
0x9d: {  	v7 =	vsub.s32 v7, v0  }
0x9e: {  	v8 =	vmul.f32 v8, v9;
	_ =	sdelay $0x1  }
0x9f: {  	v8 =	vnsel vm1, $0x0, v8;
	vm1 =	vmmov vm2  }
0xa0: {  	v6 =	vadd.f32 v8, v6  }
0xa1: {  	v7 =	vld.idx.msk [tilespmem:v7+s3+$0x0], vm2;
	_ =	sdelay $0x1  }
0xa2: {  	s30 =	sadd.s32 $0x10, s30  }
0xa3: {  	v8 =	vld [tilespmem:s30+$0x0];
	_ =	sdelay $0x2  }
0xa4: {  	v9 =	vmul.f32 $9.900000090e-01, v7;
	(erf) = vrcp.f32 v7  }
.Ltmp10:
0xa5: {  	(pc) =	sbr.rel @p3 .LBB2_14-.Ltmp10, $4  }
0xa6: {  	v7 =	vadd.f32 v8, v9  }
0xa7: {  	s28 =	sadd.s32 $0x10, s28  }
0xa8: {  	s31 =	sadd.s32 $0x10, s31;
	[tilespmem:s28+$0x0] =	vst v7  }
0xa9: {  	s0 =	sadd.s32 $0xFFFFFFFF, s0;
	s26 =	sadd.s32 $0x10, s26;
	v7 =	vld [tilespmem:s31+$0x0]  }
.LBB2_15:
0xaa: {  	s0 =	sadd.s32 @p2 $0x10, s29;
	s29 =	simm.s32 $0x0  }
0xab: {  	s29 =	smov.u32 @p2 s0  }
0xac: {  	v8 =	vor.u32 s29, v2  }
0xad: {  	vm2 =	vlt.s32 v8, v4  }
0xae: {  	v7 =	vsub.s32 v7, v0;
	_ =	sdelay $0x4  }
0xaf: {  	v7 =	vld.idx.msk [tilespmem:v7+s3+$0x0], vm2;
	_ =	sdelay $0x1  }
0xb0: {  	s0 =	sadd.s32 @p2 $0x10, s30  }
0xb1: {  	s25 =	smov.u32 @p2 s0  }
0xb2: {  	v8 =	vld [tilespmem:s25+$0x0]  }
0xb3: {  	v9 =	vmul.f32 $9.900000090e-01, v7;
	(erf) = vrcp.f32 v7;
	v7 =	vld @p2 [tilespmem:s26+$0x0];
	_ =	sdelay $0x3  }
0xb4: {  	s0 =	sadd.s32 @p2 $0x10, s28;
	v8 =	vadd.f32 v8, v9;
	v9 =	vpop @p2 (erf)  }
0xb5: {  	s24 =	smov.u32 @p2 s0;
	s0 =	sadd.s32 @p2 $0x10, s26;
	v7 =	vmul.f32 @p2 v7, v9  }
0xb6: {  	s23 =	smov.u32 @p2 s0;
	[tilespmem:s24+$0x0] =	vst v8  }
0xb7: {  	v8 =	vld [tilespmem:s23+$0x0];
	v7 =	vnsel @p2 vm1, $0x0, v7  }
0xb8: {  	v6 =	vadd.f32 @p2 v7, v6;
	_ =	sdelay $0x1  }
0xb9: {  	v5 =	vpsel p2, v6, v5;
	p2 =	seq.s32 s19, $0x1  }
.Ltmp11:
0xba: {  	v63 =	vpop (erf);
	(pc) =	sbr.rel @p2 .LBB2_16-.Ltmp11, $4  }
0xbb: {  	v7 =	vmul.f32 v8, v63  }
0xbc: {  	vm1 =	vmmov vm2;
	_ =	strace $0x9000004D  }
0xbd: {  	_ =	strace $0x8000004E;
	v6 =	vnsel vm1, $0x0, v7  }
0xbe: {  	s23 =	simm.s32 $0x11580;
	v5 =	vadd.f32 v6, v5;
	v6 =	vld [tilespmem:s22+$0x0]  }
0xbf: {  	_ =	sdelay $0x1  }
0xc0: {  	v7 =	vor.u32 s20, v2  }
0xc1: {  	vm1 =	vlt.s32 v7, v4  }
0xc2: {  	(xrf1) =	vunique.msk.u32 vm1, v6;
	_ =	sdelay $0xd  }
0xc3: {  	_, v7, vm2 =	vpop (xrf1)  }
0xc4: {  	vm1 =	vmand vm1, vm2  }
0xc5: {  	v6 =	vsub.s32 v6, v0;
	v7 =	vld [tilespmem:s23+$0x0]  }
0xc6: {  	p2 =	seq.s32 s21, $0x1  }
.Ltmp12:
0xc7: {  	_ = 	snop;
	(pc) =	sbr.rel @p2 .LBB2_18-.Ltmp12, $3  }
0xc8: {  	_ =	sdelay $0x1  }
0xc9: {  	s22 =	simm.s32 $0x10510;
	s24 =	sadd.s32 $0xFFFFFFFF, s21;
	[tilespmem:v6+s15+$0x0] =	vst.idx.msk vm1, v7  }
0xca: {  	p1 =	por $0x1, $0x1;
	s21 =	simm.s32 $0x0;
	s0 =	simm.s32 $0x11580;
	v6 =	vld [tilespmem:s22+$0x0]  }
.LBB2_19:
0xcb: {  	p2 =	seq.s32 s24, $0x1  }
0xcc: {  	s21 =	sadd.s32 $0x10, s21  }
0xcd: {  	v7 =	vor.u32 s21, v2  }
0xce: {  	vm1 =	vlt.s32 v7, v4  }
0xcf: {  	(xrf1) =	vunique.msk.u32 vm1, v6;
	_ =	sdelay $0xd  }
0xd0: {  	_, v7, vm2 =	vpop (xrf1)  }
0xd1: {  	s0 =	sadd.s32 $0x10, s0;
	vm1 =	vmand vm1, vm2  }
0xd2: {  	v6 =	vsub.s32 v6, v0;
	v7 =	vld [tilespmem:s0+$0x0];
	_ =	sdelay $0x1  }
.Ltmp13:
0xd3: {  	(pc) =	sbr.rel @!p2 .LBB2_19-.Ltmp13, $3  }
0xd4: {  	_ =	sdelay $0x1  }
0xd5: {  	s22 =	sadd.s32 $0x10, s22;
	[tilespmem:v6+s15+$0x0] =	vst.idx.msk vm1, v7  }
0xd6: {  	s24 =	sadd.s32 $0xFFFFFFFF, s24;
	v6 =	vld [tilespmem:s22+$0x0]  }
.LBB2_20:
0xd7: {  	s21 =	sadd.s32 @p1 $0x10, s21  }
0xd8: {  	s20 =	smov.u32 @p1 s21  }
0xd9: {  	v7 =	vor.u32 s20, v2  }
0xda: {  	vm1 =	vlt.s32 v7, v4  }
0xdb: {  	(xrf1) =	vunique.msk.u32 vm1, v6;
	_ =	sdelay $0xd  }
0xdc: {  	s0 =	sadd.s32 @p1 $0x10, s0;
	_, v7, vm2 =	vpop (xrf1)  }
0xdd: {  	s23 =	smov.u32 @p1 s0;
	vm1 =	vmand vm1, vm2  }
0xde: {  	v6 =	vsub.s32 v6, v0;
	v7 =	vld [tilespmem:s23+$0x0];
	_ =	sdelay $0x4  }
0xdf: {  	[tilespmem:v6+s15+$0x0] =	vst.idx.msk vm1, v7  }
0xe0: {  	s22 =	simm.s32 $0x0;
	s0 =	simm.s32 $0x10500;
	_ =	strace $0x9000004E  }
0xe1: {  	s21 =	simm.s32 $0x14700;
	s20 =	simm.s32 $0x11580;
	_ =	strace $0x8000004F  }
.LBB2_21:
0xe2: {  	v6 =	vld [tilespmem:s0+$0x0];
	_ =	sdelay $0x2  }
0xe3: {  	v7 =	vor.u32 s22, v2  }
0xe4: {  	vm1 =	vlt.s32 v7, v4  }
0xe5: {  	(xrf1) =	vunique.msk.u32 vm1, v6;
	_ =	sdelay $0xd  }
0xe6: {  	_, v7, vm2 =	vpop (xrf1)  }
0xe7: {  	vm1 =	vmand vm1, vm2  }
0xe8: {  	v6 =	vsub.s32 v6, v0;
	_ =	sdelay $0x3  }
0xe9: {  	v7 =	vld [tilespmem:s20+$0x0]  }
0xea: {  	v8 =	vld.idx.msk [tilespmem:v6+s15+$0x0], vm1;
	_ =	sdelay $0x4  }
0xeb: {  	vm2 =	veq.s32 v8, v7  }
0xec: {  	vm1 =	vmand vm1, vm2  }
0xed: {  	p1 =	sne.s32 s19, $0x1;
	v7 =	vld [tilespmem:s21+$0x0]  }
.Ltmp14:
0xee: {  	_ = 	snop;
	(pc) =	sbr.rel @p1 .LBB2_21-.Ltmp14, $3  }
0xef: {  	_ =	sdelay $0x1  }
0xf0: {  	s0 =	sadd.s32 $0x10, s0;
	s22 =	sadd.s32 $0x10, s22  }
0xf1: {  	s19 =	sadd.s32 $0xFFFFFFFF, s19;
	s20 =	sadd.s32 $0x10, s20;
	s21 =	sadd.s32 $0x10, s21;
	[tilespmem:v6+s3+$0x0] =	vst.idx.msk vm1, v7  }
.Ltmp15:
0xf2: {  	_ = 	snop;
	(pc) =	sbr.rel .LBB2_22-.Ltmp15, $1  }
0xf3: {  	_ =	sdelay $0x3  }
.LBB2_11:
.Ltmp16:
0xf4: {  	(pc) =	sbr.rel .LBB2_15-.Ltmp16, $3  }
0xf5: {  	_ =	sdelay $0x1  }
0xf6: {  	s26 =	simm.s32 $0x13680;
	s29 =	simm.s32 $0x0  }
0xf7: {  	v6 =	vimm.f32 $0.0e+00;
	s30 =	simm.s32 $0x12600;
	s28 =	simm.s32 $0x14700;
	p2 =	por $0x0, $0x0  }
.LBB2_16:
.Ltmp17:
0xf8: {  	(pc) =	sbr.rel .LBB2_20-.Ltmp17, $2  }
0xf9: {  	_ =	sdelay $0x2  }
0xfa: {  	s21 =	simm.s32 $0x0;
	s0 =	simm.s32 $0x11580  }
.LBB2_13:
.Ltmp18:
0xfb: {  	(pc) =	sbr.rel .LBB2_15-.Ltmp18, $3  }
0xfc: {  	_ =	sdelay $0x1  }
0xfd: {  	s26 =	simm.s32 $0x13680  }
0xfe: {  	s29 =	simm.s32 $0x0;
	v6 =	vimm.f32 $0.0e+00;
	s30 =	simm.s32 $0x12600;
	s28 =	simm.s32 $0x14700  }
.LBB2_18:
.Ltmp19:
0xff: {  	(pc) =	sbr.rel .LBB2_20-.Ltmp19, $2  }
0x100: {  	_ =	sdelay $0x2  }
0x101: {  	s21 =	simm.s32 $0x0;
	s0 =	simm.s32 $0x11580  }
.LBB2_23:
0x102: {  	_ =	sfence.sel $0x180000  }
0x103: {  	[bflag:$0x0] =	sbarrier.arrive $0xFFFF  }
0x104: {  	_ =	strace $0x90000047  }
0x105: {  	[bflag:$0x2] =	sbarrier.arrive $0xFFFF  }
0x106: {  	p0 =	sne.s32 s2, $0x0;
	s0 =	rddreg [dreg:$0x4]  }
0x107: {  	s0 =	sadd.s32 @!p0 $0x100000, s0  }
0x108: {  	[sflag:s0] =	ssyncadd.tile.s32 @!p0 $0x1;
	_ =	shalt  }
.Lfunc_end2:
_tile_overlayer_lowered:
.L_overlay_start_2:
0x109: {  	(tag) =	ssettag $0x2  }
0x10a: {  	s0 =	rddreg [dreg:$0x0];
	s2 =	stileid.u32  }
0x10b: {  	s1 =	rddreg [dreg:$0x1];
	p0 =	sne.s32 s2, $0x0  }
0x10c: {  	s3 =	rddreg [dreg:$0x2];
	[bflag:$0x3] =	sbarrier.arrive $0xFFFF;
	s2 =	simm.s32 @!p0 $0x1C04  }
0x10d: {  	[timem:s3], [sflag:s2] =	dma.local @!p0 [hbm:s0], s1  }
0x10e: {  	s0 =	simm.s32 @!p0 $0x4  }
0x10f: {  	_ =	swait.ge @!p0 [sflag:s0], s1  }
0x110: {  	s1 =	ssub.s32 @!p0 $0x0, s1;
	[sflag:s0] =	ssyncset.done @!p0 $0x0  }
0x111: {  	[sflag:s0] =	ssyncadd.s32 @!p0 s1  }
0x112: {  	[bflag:$0x3] =	sbarrier.arrive $0xFFFF  }
0x113: {  	_ =	shalt  }

</sc_bundles>
